<compile_context>
chip_gen: v7x
topology: tpu7x:2x2x1
jax: 0.10.2.dev20260603
libtpu: 0.0.44.dev20260713+nightly
codegen_flags: <defaults>
</compile_context>

<pallas_src>
import functools

import jax
import jax.numpy as jnp
from jax import lax
from jax.experimental import pallas as pl
from jax.experimental.pallas import tpu as pltpu
from jax.experimental.pallas import tpu_sc as plsc

B = 128
N = 32768
LANES = 16
NUM_WORKERS = 32
ROWS_PER_W = B // NUM_WORKERS
U = 8
ITERS = N // (LANES * U)


def _row_argmax(buf):
    lane = lax.broadcasted_iota(jnp.int32, (LANES,), 0)
    neg_inf = jnp.full((LANES,), -jnp.inf, jnp.float32)
    zero_i = jnp.zeros((LANES,), jnp.int32)

    def body(i, carry):
        ivec, maxs, iters = carry
        maxs, iters = list(maxs), list(iters)
        base = i * (U * LANES)
        for u in range(U):
            v = buf[pl.ds(base + u * LANES, LANES)]
            pred = v > maxs[u]
            maxs[u] = jnp.where(pred, v, maxs[u])
            iters[u] = jnp.where(pred, ivec, iters[u])
        return ivec + 1, tuple(maxs), tuple(iters)

    _, maxs, iters = lax.fori_loop(
        0, ITERS, body, (zero_i, (neg_inf,) * U, (zero_i,) * U))

    best_m = maxs[0]
    best_p = (iters[0] * U + 0) * LANES + lane
    for u in range(1, U):
        p = (iters[u] * U + u) * LANES + lane
        better = (maxs[u] > best_m) | ((maxs[u] == best_m) & (p < best_p))
        best_m = jnp.where(better, maxs[u], best_m)
        best_p = jnp.where(better, p, best_p)
    m = jnp.max(best_m)
    cand = jnp.where(best_m == m, best_p, jnp.int32(2**30))
    return jnp.min(cand)


@functools.partial(
    pl.kernel,
    out_type=jax.ShapeDtypeStruct((B, N), jnp.float32),
    mesh=plsc.VectorSubcoreMesh(core_axis_name="c", subcore_axis_name="s"),
    compiler_params=pltpu.CompilerParams(needs_layout_passes=False),
    scratch_types=[
        pltpu.VMEM((N,), jnp.float32),
        pltpu.VMEM((N,), jnp.float32),
        pltpu.VMEM((N,), jnp.float32),
        pltpu.VMEM((ROWS_PER_W, LANES), jnp.float32),
        pltpu.SemaphoreType.DMA,
        pltpu.SemaphoreType.DMA((ROWS_PER_W,)),
        pltpu.SemaphoreType.DMA,
    ],
)
def _one_hot_argmax(x_hbm, out_hbm, buf0, buf1, zbuf, fixbuf, sem_in, sem_z,
                    sem_f):
    wid = lax.axis_index("s") * 2 + lax.axis_index("c")
    row0 = wid * ROWS_PER_W

    bufs = [buf0, buf1]
    handles = [None] * ROWS_PER_W
    handles[0] = pltpu.async_copy(x_hbm.at[row0], bufs[0], sem_in)

    zeros16 = jnp.zeros((LANES,), jnp.float32)

    def zfill(i, carry):
        base = i * (U * LANES)
        for u in range(U):
            zbuf[pl.ds(base + u * LANES, LANES)] = zeros16
        return carry

    lax.fori_loop(0, ITERS, zfill, 0)

    zh = [
        pltpu.async_copy(zbuf, out_hbm.at[row0 + r], sem_z.at[r])
        for r in range(ROWS_PER_W)
    ]

    lane = lax.broadcasted_iota(jnp.int32, (LANES,), 0)
    bases = []
    for r in range(ROWS_PER_W):
        handles[r].wait()
        if r + 1 < ROWS_PER_W:
            handles[r + 1] = pltpu.async_copy(x_hbm.at[row0 + r + 1],
                                              bufs[(r + 1) % 2], sem_in)
        pos = _row_argmax(bufs[r % 2])
        base = (pos // LANES) * LANES
        fixbuf[r] = jnp.where(lane == pos - base, 1.0, 0.0).astype(jnp.float32)
        bases.append(base)

    fixups = []
    for r in range(ROWS_PER_W):
        zh[r].wait()
        fixups.append(
            pltpu.async_copy(fixbuf.at[r],
                             out_hbm.at[row0 + r, pl.ds(bases[r], LANES)],
                             sem_f))
    for h in fixups:
        h.wait()


def kernel(x):
    return _one_hot_argmax(x)

# --- scband reference (transcript-rebuilt; emitter-appended) ---
"""Pipeline reference for scband-one-hot-transform-23021024707385 (READ-ONLY COPY).

The authoritative reference and input builder live on the scoring server;
editing this copy changes nothing except your own understanding.
"""

import jax, jax.numpy as jnp
import numpy as np

B = 128
N = 32768

def setup_inputs(seed: int = 0) -> dict:
    key = jax.random.key(seed)
    x = jax.random.normal(key, (B, N), dtype=jnp.float32)
    return {"x": x}

def reference(x):
    # torch.max(x, dim=1) -> max indices
    max_indices = jnp.argmax(x, axis=1)
    # one_hot = zeros(B, output_size); scatter_(1, max_indices.unsqueeze(1), 1)
    one_hot = jnp.zeros((x.shape[0], N), dtype=jnp.float32)
    one_hot = one_hot.at[jnp.arange(x.shape[0]), max_indices].set(1.0)
    return one_hot

if __name__ == "__main__":
    import jax
    _d = setup_inputs()
    print(jax.jit(kernel)(*tuple(_d.values())))

</pallas_src>

<mosaic_0001>
#map = affine_map<(d0, d1) -> (0, 0)>
module attributes {stable_mosaic.version = 14 : i64} {
  func.func @_one_hot_argmax(%arg0: i32, %arg1: i32, %arg2: memref<128x32768xf32, #tpu.memory_space<hbm>>, %arg3: memref<128x32768xf32, #tpu.memory_space<hbm>>, %arg4: memref<32768xf32, #tpu.memory_space<vmem>>, %arg5: memref<32768xf32, #tpu.memory_space<vmem>>, %arg6: memref<32768xf32, #tpu.memory_space<vmem>>, %arg7: memref<4x16xf32, #tpu.memory_space<vmem>>, %arg8: memref<!tpu.dma_semaphore, #tpu.memory_space<semaphore_mem>>, %arg9: memref<4x!tpu.dma_semaphore, #tpu.memory_space<semaphore_mem>>, %arg10: memref<!tpu.dma_semaphore, #tpu.memory_space<semaphore_mem>>) attributes {dimension_semantics = [#tpu.dimension_semantics<core_parallel>, #tpu.dimension_semantics<subcore_parallel>], iteration_bounds = array<i64: 2, 16>, scalar_prefetch = 0 : i64, scratch_operands = 7 : i64, tpu.core_type = #tpu.core_type<sc_vector_subcore>, window_params = [{transform_indices = #map}, {transform_indices = #map}]} {
    %mul3A = arith.constant 2 : i32
    %mul3A_0 = arith.muli %arg1, %mul3A : i32
    %add3A = arith.addi %mul3A_0, %arg0 : i32
    %mul3A_1 = arith.constant 4 : i32
    %mul3A_2 = arith.muli %add3A, %mul3A_1 : i32
    %dma_start3A = arith.constant 0 : i32
    %dma_start3A_3 = tpu.memref_slice %arg2[%mul3A_2, %dma_start3A] : memref<128x32768xf32, #tpu.memory_space<hbm>> -> memref<1x32768xf32, #tpu.memory_space<hbm>>
    %dma_start3A_4 = tpu.memref_squeeze %dma_start3A_3 : memref<1x32768xf32, #tpu.memory_space<hbm>> -> memref<32768xf32, #tpu.memory_space<hbm>>
    %dma_start3A_5 = arith.constant 0 : i32
    %dma_start3A_6 = tpu.memref_slice %arg2[%mul3A_2, %dma_start3A_5] : memref<128x32768xf32, #tpu.memory_space<hbm>> -> memref<1x32768xf32, #tpu.memory_space<hbm>>
    %dma_start3A_7 = tpu.memref_squeeze %dma_start3A_6 : memref<1x32768xf32, #tpu.memory_space<hbm>> -> memref<32768xf32, #tpu.memory_space<hbm>>
    tpu.enqueue_dma source(%dma_start3A_7 : memref<32768xf32, #tpu.memory_space<hbm>>) target(%arg4 : memref<32768xf32, #tpu.memory_space<vmem>>) target_semaphore(%arg8 : memref<!tpu.dma_semaphore, #tpu.memory_space<semaphore_mem>>)
    %broadcast_in_dim3A = arith.constant 0.000000e+00 : f32
    %broadcast_in_dim3A_8 = vector.broadcast %broadcast_in_dim3A : f32 to vector<16xf32>
    %scan3A = arith.constant 0 : i32
    %scan3A_9 = arith.constant 0 : i32
    %scan3A_10 = arith.constant 256 : i32
    %scan3A_11 = arith.addi %scan3A_9, %scan3A_10 : i32
    %scan3A_12 = arith.constant 1 : i32
    scf.for %scan3A_1008 = %scan3A_9 to %scan3A_11 step %scan3A_12  : i32 {
      %mul3A_1009 = arith.constant 128 : i32
      %mul3A_1010 = arith.muli %scan3A_1008, %mul3A_1009 : i32
      %add3A_1011 = arith.constant 0 : i32
      %add3A_1012 = arith.addi %mul3A_1010, %add3A_1011 : i32
      %swap3A_1013 = arith.index_cast %add3A_1012 : i32 to index
      %swap3A_1014 = tpu.vector_load %arg6[%swap3A_1013] {strides = array<i32>} : memref<32768xf32, #tpu.memory_space<vmem>>, vector<16xf32>,
      tpu.vector_store %arg6[%swap3A_1013], %broadcast_in_dim3A_8 {strides = array<i32>} : memref<32768xf32, #tpu.memory_space<vmem>>, vector<16xf32>,
      %add3A_1015 = arith.constant 16 : i32
      %add3A_1016 = arith.addi %mul3A_1010, %add3A_1015 : i32
      %swap3A_1017 = arith.index_cast %add3A_1016 : i32 to index
      %swap3A_1018 = tpu.vector_load %arg6[%swap3A_1017] {strides = array<i32>} : memref<32768xf32, #tpu.memory_space<vmem>>, vector<16xf32>,
      tpu.vector_store %arg6[%swap3A_1017], %broadcast_in_dim3A_8 {strides = array<i32>} : memref<32768xf32, #tpu.memory_space<vmem>>, vector<16xf32>,
      %add3A_1019 = arith.constant 32 : i32
      %add3A_1020 = arith.addi %mul3A_1010, %add3A_1019 : i32
      %swap3A_1021 = arith.index_cast %add3A_1020 : i32 to index
      %swap3A_1022 = tpu.vector_load %arg6[%swap3A_1021] {strides = array<i32>} : memref<32768xf32, #tpu.memory_space<vmem>>, vector<16xf32>,
      tpu.vector_store %arg6[%swap3A_1021], %broadcast_in_dim3A_8 {strides = array<i32>} : memref<32768xf32, #tpu.memory_space<vmem>>, vector<16xf32>,
      %add3A_1023 = arith.constant 48 : i32
      %add3A_1024 = arith.addi %mul3A_1010, %add3A_1023 : i32
      %swap3A_1025 = arith.index_cast %add3A_1024 : i32 to index
      %swap3A_1026 = tpu.vector_load %arg6[%swap3A_1025] {strides = array<i32>} : memref<32768xf32, #tpu.memory_space<vmem>>, vector<16xf32>,
      tpu.vector_store %arg6[%swap3A_1025], %broadcast_in_dim3A_8 {strides = array<i32>} : memref<32768xf32, #tpu.memory_space<vmem>>, vector<16xf32>,
      %add3A_1027 = arith.constant 64 : i32
      %add3A_1028 = arith.addi %mul3A_1010, %add3A_1027 : i32
      %swap3A_1029 = arith.index_cast %add3A_1028 : i32 to index
      %swap3A_1030 = tpu.vector_load %arg6[%swap3A_1029] {strides = array<i32>} : memref<32768xf32, #tpu.memory_space<vmem>>, vector<16xf32>,
      tpu.vector_store %arg6[%swap3A_1029], %broadcast_in_dim3A_8 {strides = array<i32>} : memref<32768xf32, #tpu.memory_space<vmem>>, vector<16xf32>,
      %add3A_1031 = arith.constant 80 : i32
      %add3A_1032 = arith.addi %mul3A_1010, %add3A_1031 : i32
      %swap3A_1033 = arith.index_cast %add3A_1032 : i32 to index
      %swap3A_1034 = tpu.vector_load %arg6[%swap3A_1033] {strides = array<i32>} : memref<32768xf32, #tpu.memory_space<vmem>>, vector<16xf32>,
      tpu.vector_store %arg6[%swap3A_1033], %broadcast_in_dim3A_8 {strides = array<i32>} : memref<32768xf32, #tpu.memory_space<vmem>>, vector<16xf32>,
      %add3A_1035 = arith.constant 96 : i32
      %add3A_1036 = arith.addi %mul3A_1010, %add3A_1035 : i32
      %swap3A_1037 = arith.index_cast %add3A_1036 : i32 to index
      %swap3A_1038 = tpu.vector_load %arg6[%swap3A_1037] {strides = array<i32>} : memref<32768xf32, #tpu.memory_space<vmem>>, vector<16xf32>,
      tpu.vector_store %arg6[%swap3A_1037], %broadcast_in_dim3A_8 {strides = array<i32>} : memref<32768xf32, #tpu.memory_space<vmem>>, vector<16xf32>,
      %add3A_1039 = arith.constant 112 : i32
      %add3A_1040 = arith.addi %mul3A_1010, %add3A_1039 : i32
      %swap3A_1041 = arith.index_cast %add3A_1040 : i32 to index
      %swap3A_1042 = tpu.vector_load %arg6[%swap3A_1041] {strides = array<i32>} : memref<32768xf32, #tpu.memory_space<vmem>>, vector<16xf32>,
      tpu.vector_store %arg6[%swap3A_1041], %broadcast_in_dim3A_8 {strides = array<i32>} : memref<32768xf32, #tpu.memory_space<vmem>>, vector<16xf32>,
    }
    %scan3A_13 = arith.constant 256 : i32
    %add3A_14 = arith.constant 0 : i32
    %add3A_15 = arith.addi %mul3A_2, %add3A_14 : i32
    %dma_start3A_16 = arith.constant 0 : i32
    %dma_start3A_17 = arith.constant 0 : i32
    %dma_start3A_18 = tpu.memref_slice %arg3[%add3A_15, %dma_start3A_17] : memref<128x32768xf32, #tpu.memory_space<hbm>> -> memref<1x32768xf32, #tpu.memory_space<hbm>>
    %dma_start3A_19 = tpu.memref_squeeze %dma_start3A_18 : memref<1x32768xf32, #tpu.memory_space<hbm>> -> memref<32768xf32, #tpu.memory_space<hbm>>
    %dma_start3A_20 = tpu.memref_slice %arg9[%dma_start3A_16] : memref<4x!tpu.dma_semaphore, #tpu.memory_space<semaphore_mem>> -> memref<1x!tpu.dma_semaphore, #tpu.memory_space<semaphore_mem>>
    %dma_start3A_21 = tpu.memref_squeeze %dma_start3A_20 : memref<1x!tpu.dma_semaphore, #tpu.memory_space<semaphore_mem>> -> memref<!tpu.dma_semaphore, #tpu.memory_space<semaphore_mem>>
    %dma_start3A_22 = arith.constant 0 : i32
    %dma_start3A_23 = tpu.memref_slice %arg3[%add3A_15, %dma_start3A_22] : memref<128x32768xf32, #tpu.memory_space<hbm>> -> memref<1x32768xf32, #tpu.memory_space<hbm>>
    %dma_start3A_24 = tpu.memref_squeeze %dma_start3A_23 : memref<1x32768xf32, #tpu.memory_space<hbm>> -> memref<32768xf32, #tpu.memory_space<hbm>>
    tpu.enqueue_dma source(%arg6 : memref<32768xf32, #tpu.memory_space<vmem>>) target(%dma_start3A_24 : memref<32768xf32, #tpu.memory_space<hbm>>) target_semaphore(%dma_start3A_21 : memref<!tpu.dma_semaphore, #tpu.memory_space<semaphore_mem>>)
    %add3A_25 = arith.constant 1 : i32
    %add3A_26 = arith.addi %mul3A_2, %add3A_25 : i32
    %dma_start3A_27 = arith.constant 1 : i32
    %dma_start3A_28 = arith.constant 0 : i32
    %dma_start3A_29 = tpu.memref_slice %arg3[%add3A_26, %dma_start3A_28] : memref<128x32768xf32, #tpu.memory_space<hbm>> -> memref<1x32768xf32, #tpu.memory_space<hbm>>
    %dma_start3A_30 = tpu.memref_squeeze %dma_start3A_29 : memref<1x32768xf32, #tpu.memory_space<hbm>> -> memref<32768xf32, #tpu.memory_space<hbm>>
    %dma_start3A_31 = tpu.memref_slice %arg9[%dma_start3A_27] : memref<4x!tpu.dma_semaphore, #tpu.memory_space<semaphore_mem>> -> memref<1x!tpu.dma_semaphore, #tpu.memory_space<semaphore_mem>>
    %dma_start3A_32 = tpu.memref_squeeze %dma_start3A_31 : memref<1x!tpu.dma_semaphore, #tpu.memory_space<semaphore_mem>> -> memref<!tpu.dma_semaphore, #tpu.memory_space<semaphore_mem>>
    %dma_start3A_33 = arith.constant 0 : i32
    %dma_start3A_34 = tpu.memref_slice %arg3[%add3A_26, %dma_start3A_33] : memref<128x32768xf32, #tpu.memory_space<hbm>> -> memref<1x32768xf32, #tpu.memory_space<hbm>>
    %dma_start3A_35 = tpu.memref_squeeze %dma_start3A_34 : memref<1x32768xf32, #tpu.memory_space<hbm>> -> memref<32768xf32, #tpu.memory_space<hbm>>
    tpu.enqueue_dma source(%arg6 : memref<32768xf32, #tpu.memory_space<vmem>>) target(%dma_start3A_35 : memref<32768xf32, #tpu.memory_space<hbm>>) target_semaphore(%dma_start3A_32 : memref<!tpu.dma_semaphore, #tpu.memory_space<semaphore_mem>>)
    %add3A_36 = arith.constant 2 : i32
    %add3A_37 = arith.addi %mul3A_2, %add3A_36 : i32
    %dma_start3A_38 = arith.constant 2 : i32
    %dma_start3A_39 = arith.constant 0 : i32
    %dma_start3A_40 = tpu.memref_slice %arg3[%add3A_37, %dma_start3A_39] : memref<128x32768xf32, #tpu.memory_space<hbm>> -> memref<1x32768xf32, #tpu.memory_space<hbm>>
    %dma_start3A_41 = tpu.memref_squeeze %dma_start3A_40 : memref<1x32768xf32, #tpu.memory_space<hbm>> -> memref<32768xf32, #tpu.memory_space<hbm>>
    %dma_start3A_42 = tpu.memref_slice %arg9[%dma_start3A_38] : memref<4x!tpu.dma_semaphore, #tpu.memory_space<semaphore_mem>> -> memref<1x!tpu.dma_semaphore, #tpu.memory_space<semaphore_mem>>
    %dma_start3A_43 = tpu.memref_squeeze %dma_start3A_42 : memref<1x!tpu.dma_semaphore, #tpu.memory_space<semaphore_mem>> -> memref<!tpu.dma_semaphore, #tpu.memory_space<semaphore_mem>>
    %dma_start3A_44 = arith.constant 0 : i32
    %dma_start3A_45 = tpu.memref_slice %arg3[%add3A_37, %dma_start3A_44] : memref<128x32768xf32, #tpu.memory_space<hbm>> -> memref<1x32768xf32, #tpu.memory_space<hbm>>
    %dma_start3A_46 = tpu.memref_squeeze %dma_start3A_45 : memref<1x32768xf32, #tpu.memory_space<hbm>> -> memref<32768xf32, #tpu.memory_space<hbm>>
    tpu.enqueue_dma source(%arg6 : memref<32768xf32, #tpu.memory_space<vmem>>) target(%dma_start3A_46 : memref<32768xf32, #tpu.memory_space<hbm>>) target_semaphore(%dma_start3A_43 : memref<!tpu.dma_semaphore, #tpu.memory_space<semaphore_mem>>)
    %add3A_47 = arith.constant 3 : i32
    %add3A_48 = arith.addi %mul3A_2, %add3A_47 : i32
    %dma_start3A_49 = arith.constant 3 : i32
    %dma_start3A_50 = arith.constant 0 : i32
    %dma_start3A_51 = tpu.memref_slice %arg3[%add3A_48, %dma_start3A_50] : memref<128x32768xf32, #tpu.memory_space<hbm>> -> memref<1x32768xf32, #tpu.memory_space<hbm>>
    %dma_start3A_52 = tpu.memref_squeeze %dma_start3A_51 : memref<1x32768xf32, #tpu.memory_space<hbm>> -> memref<32768xf32, #tpu.memory_space<hbm>>
    %dma_start3A_53 = tpu.memref_slice %arg9[%dma_start3A_49] : memref<4x!tpu.dma_semaphore, #tpu.memory_space<semaphore_mem>> -> memref<1x!tpu.dma_semaphore, #tpu.memory_space<semaphore_mem>>
    %dma_start3A_54 = tpu.memref_squeeze %dma_start3A_53 : memref<1x!tpu.dma_semaphore, #tpu.memory_space<semaphore_mem>> -> memref<!tpu.dma_semaphore, #tpu.memory_space<semaphore_mem>>
    %dma_start3A_55 = arith.constant 0 : i32
    %dma_start3A_56 = tpu.memref_slice %arg3[%add3A_48, %dma_start3A_55] : memref<128x32768xf32, #tpu.memory_space<hbm>> -> memref<1x32768xf32, #tpu.memory_space<hbm>>
    %dma_start3A_57 = tpu.memref_squeeze %dma_start3A_56 : memref<1x32768xf32, #tpu.memory_space<hbm>> -> memref<32768xf32, #tpu.memory_space<hbm>>
    tpu.enqueue_dma source(%arg6 : memref<32768xf32, #tpu.memory_space<vmem>>) target(%dma_start3A_57 : memref<32768xf32, #tpu.memory_space<hbm>>) target_semaphore(%dma_start3A_54 : memref<!tpu.dma_semaphore, #tpu.memory_space<semaphore_mem>>)
    %iota3A = tpu.iota {dimensions = array<i32: 0>} : vector<16xi32>
    %dma_wait3A = arith.constant 0 : i32
    %dma_wait3A_58 = tpu.memref_slice %arg2[%mul3A_2, %dma_wait3A] : memref<128x32768xf32, #tpu.memory_space<hbm>> -> memref<1x32768xf32, #tpu.memory_space<hbm>>
    %dma_wait3A_59 = tpu.memref_squeeze %dma_wait3A_58 : memref<1x32768xf32, #tpu.memory_space<hbm>> -> memref<32768xf32, #tpu.memory_space<hbm>>
    %dma_wait3A_60 = arith.constant 0 : i32
    %dma_wait3A_61 = tpu.memref_slice %arg2[%mul3A_2, %dma_wait3A_60] : memref<128x32768xf32, #tpu.memory_space<hbm>> -> memref<1x32768xf32, #tpu.memory_space<hbm>>
    %dma_wait3A_62 = tpu.memref_squeeze %dma_wait3A_61 : memref<1x32768xf32, #tpu.memory_space<hbm>> -> memref<32768xf32, #tpu.memory_space<hbm>>
    tpu.wait_dma2 semaphore(%arg8 : memref<!tpu.dma_semaphore, #tpu.memory_space<semaphore_mem>>) src(%dma_wait3A_62 : memref<32768xf32, #tpu.memory_space<hbm>>) dst(%arg4 : memref<32768xf32, #tpu.memory_space<vmem>>)
    %add3A_63 = arith.constant 0 : i32
    %add3A_64 = arith.addi %mul3A_2, %add3A_63 : i32
    %add3A_65 = arith.constant 1 : i32
    %add3A_66 = arith.addi %add3A_64, %add3A_65 : i32
    %dma_start3A_67 = arith.constant 0 : i32
    %dma_start3A_68 = tpu.memref_slice %arg2[%add3A_66, %dma_start3A_67] : memref<128x32768xf32, #tpu.memory_space<hbm>> -> memref<1x32768xf32, #tpu.memory_space<hbm>>
    %dma_start3A_69 = tpu.memref_squeeze %dma_start3A_68 : memref<1x32768xf32, #tpu.memory_space<hbm>> -> memref<32768xf32, #tpu.memory_space<hbm>>
    %dma_start3A_70 = arith.constant 0 : i32
    %dma_start3A_71 = tpu.memref_slice %arg2[%add3A_66, %dma_start3A_70] : memref<128x32768xf32, #tpu.memory_space<hbm>> -> memref<1x32768xf32, #tpu.memory_space<hbm>>
    %dma_start3A_72 = tpu.memref_squeeze %dma_start3A_71 : memref<1x32768xf32, #tpu.memory_space<hbm>> -> memref<32768xf32, #tpu.memory_space<hbm>>
    tpu.enqueue_dma source(%dma_start3A_72 : memref<32768xf32, #tpu.memory_space<hbm>>) target(%arg5 : memref<32768xf32, #tpu.memory_space<vmem>>) target_semaphore(%arg8 : memref<!tpu.dma_semaphore, #tpu.memory_space<semaphore_mem>>)
    %iota3A_73 = tpu.iota {dimensions = array<i32: 0>} : vector<16xi32>
    %broadcast_in_dim3A_74 = arith.constant 0xFF800000 : f32
    %broadcast_in_dim3A_75 = vector.broadcast %broadcast_in_dim3A_74 : f32 to vector<16xf32>
    %broadcast_in_dim3A_76 = arith.constant 0 : i32
    %broadcast_in_dim3A_77 = vector.broadcast %broadcast_in_dim3A_76 : i32 to vector<16xi32>
    %scan3A_78 = arith.constant 0 : i32
    %scan3A_79 = arith.constant 256 : i32
    %scan3A_80 = arith.addi %scan3A_78, %scan3A_79 : i32
    %scan3A_81 = arith.constant 1 : i32
    %scan3A_82:17 = scf.for %scan3A_1008 = %scan3A_78 to %scan3A_80 step %scan3A_81 iter_args(%scan3A_1009 = %broadcast_in_dim3A_77, %scan3A_1010 = %broadcast_in_dim3A_75, %scan3A_1011 = %broadcast_in_dim3A_75, %scan3A_1012 = %broadcast_in_dim3A_75, %scan3A_1013 = %broadcast_in_dim3A_75, %scan3A_1014 = %broadcast_in_dim3A_75, %scan3A_1015 = %broadcast_in_dim3A_75, %scan3A_1016 = %broadcast_in_dim3A_75, %scan3A_1017 = %broadcast_in_dim3A_75, %scan3A_1018 = %broadcast_in_dim3A_77, %scan3A_1019 = %broadcast_in_dim3A_77, %scan3A_1020 = %broadcast_in_dim3A_77, %scan3A_1021 = %broadcast_in_dim3A_77, %scan3A_1022 = %broadcast_in_dim3A_77, %scan3A_1023 = %broadcast_in_dim3A_77, %scan3A_1024 = %broadcast_in_dim3A_77, %scan3A_1025 = %broadcast_in_dim3A_77) -> (vector<16xi32>, vector<16xf32>, vector<16xf32>, vector<16xf32>, vector<16xf32>, vector<16xf32>, vector<16xf32>, vector<16xf32>, vector<16xf32>, vector<16xi32>, vector<16xi32>, vector<16xi32>, vector<16xi32>, vector<16xi32>, vector<16xi32>, vector<16xi32>, vector<16xi32>)  : i32 {
      %mul3A_1026 = arith.constant 128 : i32
      %mul3A_1027 = arith.muli %scan3A_1008, %mul3A_1026 : i32
      %add3A_1028 = arith.constant 0 : i32
      %add3A_1029 = arith.addi %mul3A_1027, %add3A_1028 : i32
      %get3A = arith.index_cast %add3A_1029 : i32 to index
      %get3A_1030 = tpu.vector_load %arg4[%get3A] {strides = array<i32>} : memref<32768xf32, #tpu.memory_space<vmem>>, vector<16xf32>,
      %gt3A_1031 = arith.cmpf ogt, %get3A_1030, %scan3A_1010 : vector<16xf32>
      %select_n3A_1032 = arith.select %gt3A_1031, %get3A_1030, %scan3A_1010 : vector<16xi1>, vector<16xf32>
      %select_n3A_1033 = arith.select %gt3A_1031, %scan3A_1009, %scan3A_1018 : vector<16xi1>, vector<16xi32>
      %add3A_1034 = arith.constant 16 : i32
      %add3A_1035 = arith.addi %mul3A_1027, %add3A_1034 : i32
      %get3A_1036 = arith.index_cast %add3A_1035 : i32 to index
      %get3A_1037 = tpu.vector_load %arg4[%get3A_1036] {strides = array<i32>} : memref<32768xf32, #tpu.memory_space<vmem>>, vector<16xf32>,
      %gt3A_1038 = arith.cmpf ogt, %get3A_1037, %scan3A_1011 : vector<16xf32>
      %select_n3A_1039 = arith.select %gt3A_1038, %get3A_1037, %scan3A_1011 : vector<16xi1>, vector<16xf32>
      %select_n3A_1040 = arith.select %gt3A_1038, %scan3A_1009, %scan3A_1019 : vector<16xi1>, vector<16xi32>
      %add3A_1041 = arith.constant 32 : i32
      %add3A_1042 = arith.addi %mul3A_1027, %add3A_1041 : i32
      %get3A_1043 = arith.index_cast %add3A_1042 : i32 to index
      %get3A_1044 = tpu.vector_load %arg4[%get3A_1043] {strides = array<i32>} : memref<32768xf32, #tpu.memory_space<vmem>>, vector<16xf32>,
      %gt3A_1045 = arith.cmpf ogt, %get3A_1044, %scan3A_1012 : vector<16xf32>
      %select_n3A_1046 = arith.select %gt3A_1045, %get3A_1044, %scan3A_1012 : vector<16xi1>, vector<16xf32>
      %select_n3A_1047 = arith.select %gt3A_1045, %scan3A_1009, %scan3A_1020 : vector<16xi1>, vector<16xi32>
      %add3A_1048 = arith.constant 48 : i32
      %add3A_1049 = arith.addi %mul3A_1027, %add3A_1048 : i32
      %get3A_1050 = arith.index_cast %add3A_1049 : i32 to index
      %get3A_1051 = tpu.vector_load %arg4[%get3A_1050] {strides = array<i32>} : memref<32768xf32, #tpu.memory_space<vmem>>, vector<16xf32>,
      %gt3A_1052 = arith.cmpf ogt, %get3A_1051, %scan3A_1013 : vector<16xf32>
      %select_n3A_1053 = arith.select %gt3A_1052, %get3A_1051, %scan3A_1013 : vector<16xi1>, vector<16xf32>
      %select_n3A_1054 = arith.select %gt3A_1052, %scan3A_1009, %scan3A_1021 : vector<16xi1>, vector<16xi32>
      %add3A_1055 = arith.constant 64 : i32
      %add3A_1056 = arith.addi %mul3A_1027, %add3A_1055 : i32
      %get3A_1057 = arith.index_cast %add3A_1056 : i32 to index
      %get3A_1058 = tpu.vector_load %arg4[%get3A_1057] {strides = array<i32>} : memref<32768xf32, #tpu.memory_space<vmem>>, vector<16xf32>,
      %gt3A_1059 = arith.cmpf ogt, %get3A_1058, %scan3A_1014 : vector<16xf32>
      %select_n3A_1060 = arith.select %gt3A_1059, %get3A_1058, %scan3A_1014 : vector<16xi1>, vector<16xf32>
      %select_n3A_1061 = arith.select %gt3A_1059, %scan3A_1009, %scan3A_1022 : vector<16xi1>, vector<16xi32>
      %add3A_1062 = arith.constant 80 : i32
      %add3A_1063 = arith.addi %mul3A_1027, %add3A_1062 : i32
      %get3A_1064 = arith.index_cast %add3A_1063 : i32 to index
      %get3A_1065 = tpu.vector_load %arg4[%get3A_1064] {strides = array<i32>} : memref<32768xf32, #tpu.memory_space<vmem>>, vector<16xf32>,
      %gt3A_1066 = arith.cmpf ogt, %get3A_1065, %scan3A_1015 : vector<16xf32>
      %select_n3A_1067 = arith.select %gt3A_1066, %get3A_1065, %scan3A_1015 : vector<16xi1>, vector<16xf32>
      %select_n3A_1068 = arith.select %gt3A_1066, %scan3A_1009, %scan3A_1023 : vector<16xi1>, vector<16xi32>
      %add3A_1069 = arith.constant 96 : i32
      %add3A_1070 = arith.addi %mul3A_1027, %add3A_1069 : i32
      %get3A_1071 = arith.index_cast %add3A_1070 : i32 to index
      %get3A_1072 = tpu.vector_load %arg4[%get3A_1071] {strides = array<i32>} : memref<32768xf32, #tpu.memory_space<vmem>>, vector<16xf32>,
      %gt3A_1073 = arith.cmpf ogt, %get3A_1072, %scan3A_1016 : vector<16xf32>
      %select_n3A_1074 = arith.select %gt3A_1073, %get3A_1072, %scan3A_1016 : vector<16xi1>, vector<16xf32>
      %select_n3A_1075 = arith.select %gt3A_1073, %scan3A_1009, %scan3A_1024 : vector<16xi1>, vector<16xi32>
      %add3A_1076 = arith.constant 112 : i32
      %add3A_1077 = arith.addi %mul3A_1027, %add3A_1076 : i32
      %get3A_1078 = arith.index_cast %add3A_1077 : i32 to index
      %get3A_1079 = tpu.vector_load %arg4[%get3A_1078] {strides = array<i32>} : memref<32768xf32, #tpu.memory_space<vmem>>, vector<16xf32>,
      %gt3A_1080 = arith.cmpf ogt, %get3A_1079, %scan3A_1017 : vector<16xf32>
      %select_n3A_1081 = arith.select %gt3A_1080, %get3A_1079, %scan3A_1017 : vector<16xi1>, vector<16xf32>
      %select_n3A_1082 = arith.select %gt3A_1080, %scan3A_1009, %scan3A_1025 : vector<16xi1>, vector<16xi32>
      %add3A_1083 = arith.constant 1 : i32
      %add3A_1084 = vector.broadcast %add3A_1083 : i32 to vector<16xi32>
      %add3A_1085 = arith.addi %scan3A_1009, %add3A_1084 : vector<16xi32>
      scf.yield %add3A_1085, %select_n3A_1032, %select_n3A_1039, %select_n3A_1046, %select_n3A_1053, %select_n3A_1060, %select_n3A_1067, %select_n3A_1074, %select_n3A_1081, %select_n3A_1033, %select_n3A_1040, %select_n3A_1047, %select_n3A_1054, %select_n3A_1061, %select_n3A_1068, %select_n3A_1075, %select_n3A_1082 : vector<16xi32>, vector<16xf32>, vector<16xf32>, vector<16xf32>, vector<16xf32>, vector<16xf32>, vector<16xf32>, vector<16xf32>, vector<16xf32>, vector<16xi32>, vector<16xi32>, vector<16xi32>, vector<16xi32>, vector<16xi32>, vector<16xi32>, vector<16xi32>, vector<16xi32>
    }
    %scan3A_83 = arith.constant 256 : i32
    %mul3A_84 = arith.constant 8 : i32
    %mul3A_85 = vector.broadcast %mul3A_84 : i32 to vector<16xi32>
    %mul3A_86 = arith.muli %scan3A_82#9, %mul3A_85 : vector<16xi32>
    %add3A_87 = arith.constant 0 : i32
    %add3A_88 = vector.broadcast %add3A_87 : i32 to vector<16xi32>
    %add3A_89 = arith.addi %mul3A_86, %add3A_88 : vector<16xi32>
    %mul3A_90 = arith.constant 16 : i32
    %mul3A_91 = vector.broadcast %mul3A_90 : i32 to vector<16xi32>
    %mul3A_92 = arith.muli %add3A_89, %mul3A_91 : vector<16xi32>
    %add3A_93 = arith.addi %mul3A_92, %iota3A_73 : vector<16xi32>
    %mul3A_94 = arith.constant 8 : i32
    %mul3A_95 = vector.broadcast %mul3A_94 : i32 to vector<16xi32>
    %mul3A_96 = arith.muli %scan3A_82#10, %mul3A_95 : vector<16xi32>
    %add3A_97 = arith.constant 1 : i32
    %add3A_98 = vector.broadcast %add3A_97 : i32 to vector<16xi32>
    %add3A_99 = arith.addi %mul3A_96, %add3A_98 : vector<16xi32>
    %mul3A_100 = arith.constant 16 : i32
    %mul3A_101 = vector.broadcast %mul3A_100 : i32 to vector<16xi32>
    %mul3A_102 = arith.muli %add3A_99, %mul3A_101 : vector<16xi32>
    %add3A_103 = arith.addi %mul3A_102, %iota3A_73 : vector<16xi32>
    %gt3A = arith.cmpf ogt, %scan3A_82#2, %scan3A_82#1 : vector<16xf32>
    %eq3A = arith.cmpf oeq, %scan3A_82#2, %scan3A_82#1 : vector<16xf32>
    %lt3A = arith.cmpi slt, %add3A_103, %add3A_93 : vector<16xi32>
    %and3A = arith.andi %eq3A, %lt3A : vector<16xi1>
    %or3A = arith.ori %gt3A, %and3A : vector<16xi1>
    %select_n3A = arith.select %or3A, %scan3A_82#2, %scan3A_82#1 : vector<16xi1>, vector<16xf32>
    %select_n3A_104 = arith.select %or3A, %add3A_103, %add3A_93 : vector<16xi1>, vector<16xi32>
    %mul3A_105 = arith.constant 8 : i32
    %mul3A_106 = vector.broadcast %mul3A_105 : i32 to vector<16xi32>
    %mul3A_107 = arith.muli %scan3A_82#11, %mul3A_106 : vector<16xi32>
    %add3A_108 = arith.constant 2 : i32
    %add3A_109 = vector.broadcast %add3A_108 : i32 to vector<16xi32>
    %add3A_110 = arith.addi %mul3A_107, %add3A_109 : vector<16xi32>
    %mul3A_111 = arith.constant 16 : i32
    %mul3A_112 = vector.broadcast %mul3A_111 : i32 to vector<16xi32>
    %mul3A_113 = arith.muli %add3A_110, %mul3A_112 : vector<16xi32>
    %add3A_114 = arith.addi %mul3A_113, %iota3A_73 : vector<16xi32>
    %gt3A_115 = arith.cmpf ogt, %scan3A_82#3, %select_n3A : vector<16xf32>
    %eq3A_116 = arith.cmpf oeq, %scan3A_82#3, %select_n3A : vector<16xf32>
    %lt3A_117 = arith.cmpi slt, %add3A_114, %select_n3A_104 : vector<16xi32>
    %and3A_118 = arith.andi %eq3A_116, %lt3A_117 : vector<16xi1>
    %or3A_119 = arith.ori %gt3A_115, %and3A_118 : vector<16xi1>
    %select_n3A_120 = arith.select %or3A_119, %scan3A_82#3, %select_n3A : vector<16xi1>, vector<16xf32>
    %select_n3A_121 = arith.select %or3A_119, %add3A_114, %select_n3A_104 : vector<16xi1>, vector<16xi32>
    %mul3A_122 = arith.constant 8 : i32
    %mul3A_123 = vector.broadcast %mul3A_122 : i32 to vector<16xi32>
    %mul3A_124 = arith.muli %scan3A_82#12, %mul3A_123 : vector<16xi32>
    %add3A_125 = arith.constant 3 : i32
    %add3A_126 = vector.broadcast %add3A_125 : i32 to vector<16xi32>
    %add3A_127 = arith.addi %mul3A_124, %add3A_126 : vector<16xi32>
    %mul3A_128 = arith.constant 16 : i32
    %mul3A_129 = vector.broadcast %mul3A_128 : i32 to vector<16xi32>
    %mul3A_130 = arith.muli %add3A_127, %mul3A_129 : vector<16xi32>
    %add3A_131 = arith.addi %mul3A_130, %iota3A_73 : vector<16xi32>
    %gt3A_132 = arith.cmpf ogt, %scan3A_82#4, %select_n3A_120 : vector<16xf32>
    %eq3A_133 = arith.cmpf oeq, %scan3A_82#4, %select_n3A_120 : vector<16xf32>
    %lt3A_134 = arith.cmpi slt, %add3A_131, %select_n3A_121 : vector<16xi32>
    %and3A_135 = arith.andi %eq3A_133, %lt3A_134 : vector<16xi1>
    %or3A_136 = arith.ori %gt3A_132, %and3A_135 : vector<16xi1>
    %select_n3A_137 = arith.select %or3A_136, %scan3A_82#4, %select_n3A_120 : vector<16xi1>, vector<16xf32>
    %select_n3A_138 = arith.select %or3A_136, %add3A_131, %select_n3A_121 : vector<16xi1>, vector<16xi32>
    %mul3A_139 = arith.constant 8 : i32
    %mul3A_140 = vector.broadcast %mul3A_139 : i32 to vector<16xi32>
    %mul3A_141 = arith.muli %scan3A_82#13, %mul3A_140 : vector<16xi32>
    %add3A_142 = arith.constant 4 : i32
    %add3A_143 = vector.broadcast %add3A_142 : i32 to vector<16xi32>
    %add3A_144 = arith.addi %mul3A_141, %add3A_143 : vector<16xi32>
    %mul3A_145 = arith.constant 16 : i32
    %mul3A_146 = vector.broadcast %mul3A_145 : i32 to vector<16xi32>
    %mul3A_147 = arith.muli %add3A_144, %mul3A_146 : vector<16xi32>
    %add3A_148 = arith.addi %mul3A_147, %iota3A_73 : vector<16xi32>
    %gt3A_149 = arith.cmpf ogt, %scan3A_82#5, %select_n3A_137 : vector<16xf32>
    %eq3A_150 = arith.cmpf oeq, %scan3A_82#5, %select_n3A_137 : vector<16xf32>
    %lt3A_151 = arith.cmpi slt, %add3A_148, %select_n3A_138 : vector<16xi32>
    %and3A_152 = arith.andi %eq3A_150, %lt3A_151 : vector<16xi1>
    %or3A_153 = arith.ori %gt3A_149, %and3A_152 : vector<16xi1>
    %select_n3A_154 = arith.select %or3A_153, %scan3A_82#5, %select_n3A_137 : vector<16xi1>, vector<16xf32>
    %select_n3A_155 = arith.select %or3A_153, %add3A_148, %select_n3A_138 : vector<16xi1>, vector<16xi32>
    %mul3A_156 = arith.constant 8 : i32
    %mul3A_157 = vector.broadcast %mul3A_156 : i32 to vector<16xi32>
    %mul3A_158 = arith.muli %scan3A_82#14, %mul3A_157 : vector<16xi32>
    %add3A_159 = arith.constant 5 : i32
    %add3A_160 = vector.broadcast %add3A_159 : i32 to vector<16xi32>
    %add3A_161 = arith.addi %mul3A_158, %add3A_160 : vector<16xi32>
    %mul3A_162 = arith.constant 16 : i32
    %mul3A_163 = vector.broadcast %mul3A_162 : i32 to vector<16xi32>
    %mul3A_164 = arith.muli %add3A_161, %mul3A_163 : vector<16xi32>
    %add3A_165 = arith.addi %mul3A_164, %iota3A_73 : vector<16xi32>
    %gt3A_166 = arith.cmpf ogt, %scan3A_82#6, %select_n3A_154 : vector<16xf32>
    %eq3A_167 = arith.cmpf oeq, %scan3A_82#6, %select_n3A_154 : vector<16xf32>
    %lt3A_168 = arith.cmpi slt, %add3A_165, %select_n3A_155 : vector<16xi32>
    %and3A_169 = arith.andi %eq3A_167, %lt3A_168 : vector<16xi1>
    %or3A_170 = arith.ori %gt3A_166, %and3A_169 : vector<16xi1>
    %select_n3A_171 = arith.select %or3A_170, %scan3A_82#6, %select_n3A_154 : vector<16xi1>, vector<16xf32>
    %select_n3A_172 = arith.select %or3A_170, %add3A_165, %select_n3A_155 : vector<16xi1>, vector<16xi32>
    %mul3A_173 = arith.constant 8 : i32
    %mul3A_174 = vector.broadcast %mul3A_173 : i32 to vector<16xi32>
    %mul3A_175 = arith.muli %scan3A_82#15, %mul3A_174 : vector<16xi32>
    %add3A_176 = arith.constant 6 : i32
    %add3A_177 = vector.broadcast %add3A_176 : i32 to vector<16xi32>
    %add3A_178 = arith.addi %mul3A_175, %add3A_177 : vector<16xi32>
    %mul3A_179 = arith.constant 16 : i32
    %mul3A_180 = vector.broadcast %mul3A_179 : i32 to vector<16xi32>
    %mul3A_181 = arith.muli %add3A_178, %mul3A_180 : vector<16xi32>
    %add3A_182 = arith.addi %mul3A_181, %iota3A_73 : vector<16xi32>
    %gt3A_183 = arith.cmpf ogt, %scan3A_82#7, %select_n3A_171 : vector<16xf32>
    %eq3A_184 = arith.cmpf oeq, %scan3A_82#7, %select_n3A_171 : vector<16xf32>
    %lt3A_185 = arith.cmpi slt, %add3A_182, %select_n3A_172 : vector<16xi32>
    %and3A_186 = arith.andi %eq3A_184, %lt3A_185 : vector<16xi1>
    %or3A_187 = arith.ori %gt3A_183, %and3A_186 : vector<16xi1>
    %select_n3A_188 = arith.select %or3A_187, %scan3A_82#7, %select_n3A_171 : vector<16xi1>, vector<16xf32>
    %select_n3A_189 = arith.select %or3A_187, %add3A_182, %select_n3A_172 : vector<16xi1>, vector<16xi32>
    %mul3A_190 = arith.constant 8 : i32
    %mul3A_191 = vector.broadcast %mul3A_190 : i32 to vector<16xi32>
    %mul3A_192 = arith.muli %scan3A_82#16, %mul3A_191 : vector<16xi32>
    %add3A_193 = arith.constant 7 : i32
    %add3A_194 = vector.broadcast %add3A_193 : i32 to vector<16xi32>
    %add3A_195 = arith.addi %mul3A_192, %add3A_194 : vector<16xi32>
    %mul3A_196 = arith.constant 16 : i32
    %mul3A_197 = vector.broadcast %mul3A_196 : i32 to vector<16xi32>
    %mul3A_198 = arith.muli %add3A_195, %mul3A_197 : vector<16xi32>
    %add3A_199 = arith.addi %mul3A_198, %iota3A_73 : vector<16xi32>
    %gt3A_200 = arith.cmpf ogt, %scan3A_82#8, %select_n3A_188 : vector<16xf32>
    %eq3A_201 = arith.cmpf oeq, %scan3A_82#8, %select_n3A_188 : vector<16xf32>
    %lt3A_202 = arith.cmpi slt, %add3A_199, %select_n3A_189 : vector<16xi32>
    %and3A_203 = arith.andi %eq3A_201, %lt3A_202 : vector<16xi1>
    %or3A_204 = arith.ori %gt3A_200, %and3A_203 : vector<16xi1>
    %select_n3A_205 = arith.select %or3A_204, %scan3A_82#8, %select_n3A_188 : vector<16xi1>, vector<16xf32>
    %select_n3A_206 = arith.select %or3A_204, %add3A_199, %select_n3A_189 : vector<16xi1>, vector<16xi32>
    %reduce_max3A = arith.constant true
    %reduce_max3A_207 = vector.broadcast %reduce_max3A : i1 to vector<16xi1>
    %reduce_max3A_208 = tpu.scan <max>, %select_n3A_205 masked %reduce_max3A_207 : vector<16xf32>, vector<16xi1> -> vector<16xf32>
    %reduce_max3A_209 = vector.extract %reduce_max3A_208[15] : f32 from vector<16xf32>
    %eq3A_210 = vector.broadcast %reduce_max3A_209 : f32 to vector<16xf32>
    %eq3A_211 = arith.cmpf oeq, %select_n3A_205, %eq3A_210 : vector<16xf32>
    %jit3A = arith.constant 1073741824 : i32
    %broadcast_in_dim3A_212 = vector.broadcast %jit3A : i32 to vector<16xi32>
    %select_n3A_213 = arith.select %eq3A_211, %select_n3A_206, %broadcast_in_dim3A_212 : vector<16xi1>, vector<16xi32>
    %reduce_min3A = arith.constant true
    %reduce_min3A_214 = vector.broadcast %reduce_min3A : i1 to vector<16xi1>
    %reduce_min3A_215 = arith.constant -2147483648 : i32
    %reduce_min3A_216 = vector.broadcast %reduce_min3A_215 : i32 to vector<16xi32>
    %reduce_min3A_217 = arith.xori %select_n3A_213, %reduce_min3A_216 : vector<16xi32>
    %reduce_min3A_218 = tpu.scan <min>, %reduce_min3A_217 masked %reduce_min3A_214 : vector<16xi32>, vector<16xi1> -> vector<16xi32>
    %reduce_min3A_219 = arith.xori %reduce_min3A_218, %reduce_min3A_216 : vector<16xi32>
    %reduce_min3A_220 = vector.extract %reduce_min3A_219[15] : i32 from vector<16xi32>
    %jit3A_221 = arith.constant 16 : i32
    %div3A = arith.divsi %reduce_min3A_220, %jit3A_221 : i32
    %sign3A = arith.constant 0 : i32
    %sign3A_222 = arith.cmpi sgt, %reduce_min3A_220, %sign3A : i32
    %sign3A_223 = arith.extui %sign3A_222 : i1 to i32
    %sign3A_224 = arith.constant 0 : i32
    %sign3A_225 = arith.cmpi slt, %reduce_min3A_220, %sign3A_224 : i32
    %sign3A_226 = arith.extui %sign3A_225 : i1 to i32
    %sign3A_227 = arith.subi %sign3A_223, %sign3A_226 : i32
    %sign3A_228 = arith.constant 0 : i32
    %sign3A_229 = arith.cmpi sgt, %jit3A_221, %sign3A_228 : i32
    %sign3A_230 = arith.extui %sign3A_229 : i1 to i32
    %sign3A_231 = arith.constant 0 : i32
    %sign3A_232 = arith.cmpi slt, %jit3A_221, %sign3A_231 : i32
    %sign3A_233 = arith.extui %sign3A_232 : i1 to i32
    %sign3A_234 = arith.subi %sign3A_230, %sign3A_233 : i32
    %ne3A = arith.cmpi ne, %sign3A_227, %sign3A_234 : i32
    %rem3A = arith.remsi %reduce_min3A_220, %jit3A_221 : i32
    %ne3A_235 = arith.constant 0 : i32
    %ne3A_236 = arith.cmpi ne, %rem3A, %ne3A_235 : i32
    %and3A_237 = arith.andi %ne3A, %ne3A_236 : i1
    %sub3A = arith.constant 1 : i32
    %sub3A_238 = arith.subi %div3A, %sub3A : i32
    %select_n3A_239 = arith.select %and3A_237, %sub3A_238, %div3A : i32
    %mul3A_240 = arith.constant 16 : i32
    %mul3A_241 = arith.muli %select_n3A_239, %mul3A_240 : i32
    %sub3A_242 = arith.subi %reduce_min3A_220, %mul3A_241 : i32
    %eq3A_243 = vector.broadcast %sub3A_242 : i32 to vector<16xi32>
    %eq3A_244 = arith.cmpi eq, %iota3A, %eq3A_243 : vector<16xi32>
    %jit3A_245 = arith.constant 1.000000e+00 : f32
    %jit3A_246 = arith.constant 0.000000e+00 : f32
    %broadcast_in_dim3A_247 = vector.broadcast %jit3A_245 : f32 to vector<16xf32>
    %broadcast_in_dim3A_248 = vector.broadcast %jit3A_246 : f32 to vector<16xf32>
    %select_n3A_249 = arith.select %eq3A_244, %broadcast_in_dim3A_247, %broadcast_in_dim3A_248 : vector<16xi1>, vector<16xf32>
    %swap3A = arith.constant 0 : i32
    %swap3A_250 = arith.index_cast %swap3A : i32 to index
    %swap3A_251 = arith.constant 0 : index
    %swap3A_252 = tpu.vector_load %arg7[%swap3A_250, %swap3A_251] {strides = array<i32>} : memref<4x16xf32, #tpu.memory_space<vmem>>, vector<16xf32>,
    tpu.vector_store %arg7[%swap3A_250, %swap3A_251], %select_n3A_249 {strides = array<i32>} : memref<4x16xf32, #tpu.memory_space<vmem>>, vector<16xf32>,
    %dma_wait3A_253 = arith.constant 0 : i32
    %dma_wait3A_254 = tpu.memref_slice %arg2[%add3A_66, %dma_wait3A_253] : memref<128x32768xf32, #tpu.memory_space<hbm>> -> memref<1x32768xf32, #tpu.memory_space<hbm>>
    %dma_wait3A_255 = tpu.memref_squeeze %dma_wait3A_254 : memref<1x32768xf32, #tpu.memory_space<hbm>> -> memref<32768xf32, #tpu.memory_space<hbm>>
    %dma_wait3A_256 = arith.constant 0 : i32
    %dma_wait3A_257 = tpu.memref_slice %arg2[%add3A_66, %dma_wait3A_256] : memref<128x32768xf32, #tpu.memory_space<hbm>> -> memref<1x32768xf32, #tpu.memory_space<hbm>>
    %dma_wait3A_258 = tpu.memref_squeeze %dma_wait3A_257 : memref<1x32768xf32, #tpu.memory_space<hbm>> -> memref<32768xf32, #tpu.memory_space<hbm>>
    tpu.wait_dma2 semaphore(%arg8 : memref<!tpu.dma_semaphore, #tpu.memory_space<semaphore_mem>>) src(%dma_wait3A_258 : memref<32768xf32, #tpu.memory_space<hbm>>) dst(%arg5 : memref<32768xf32, #tpu.memory_space<vmem>>)
    %add3A_259 = arith.constant 1 : i32
    %add3A_260 = arith.addi %mul3A_2, %add3A_259 : i32
    %add3A_261 = arith.constant 1 : i32
    %add3A_262 = arith.addi %add3A_260, %add3A_261 : i32
    %dma_start3A_263 = arith.constant 0 : i32
    %dma_start3A_264 = tpu.memref_slice %arg2[%add3A_262, %dma_start3A_263] : memref<128x32768xf32, #tpu.memory_space<hbm>> -> memref<1x32768xf32, #tpu.memory_space<hbm>>
    %dma_start3A_265 = tpu.memref_squeeze %dma_start3A_264 : memref<1x32768xf32, #tpu.memory_space<hbm>> -> memref<32768xf32, #tpu.memory_space<hbm>>
    %dma_start3A_266 = arith.constant 0 : i32
    %dma_start3A_267 = tpu.memref_slice %arg2[%add3A_262, %dma_start3A_266] : memref<128x32768xf32, #tpu.memory_space<hbm>> -> memref<1x32768xf32, #tpu.memory_space<hbm>>
    %dma_start3A_268 = tpu.memref_squeeze %dma_start3A_267 : memref<1x32768xf32, #tpu.memory_space<hbm>> -> memref<32768xf32, #tpu.memory_space<hbm>>
    tpu.enqueue_dma source(%dma_start3A_268 : memref<32768xf32, #tpu.memory_space<hbm>>) target(%arg4 : memref<32768xf32, #tpu.memory_space<vmem>>) target_semaphore(%arg8 : memref<!tpu.dma_semaphore, #tpu.memory_space<semaphore_mem>>)
    %iota3A_269 = tpu.iota {dimensions = array<i32: 0>} : vector<16xi32>
    %broadcast_in_dim3A_270 = arith.constant 0xFF800000 : f32
    %broadcast_in_dim3A_271 = vector.broadcast %broadcast_in_dim3A_270 : f32 to vector<16xf32>
    %broadcast_in_dim3A_272 = arith.constant 0 : i32
    %broadcast_in_dim3A_273 = vector.broadcast %broadcast_in_dim3A_272 : i32 to vector<16xi32>
    %scan3A_274 = arith.constant 0 : i32
    %scan3A_275 = arith.constant 256 : i32
    %scan3A_276 = arith.addi %scan3A_274, %scan3A_275 : i32
    %scan3A_277 = arith.constant 1 : i32
    %scan3A_278:17 = scf.for %scan3A_1008 = %scan3A_274 to %scan3A_276 step %scan3A_277 iter_args(%scan3A_1009 = %broadcast_in_dim3A_273, %scan3A_1010 = %broadcast_in_dim3A_271, %scan3A_1011 = %broadcast_in_dim3A_271, %scan3A_1012 = %broadcast_in_dim3A_271, %scan3A_1013 = %broadcast_in_dim3A_271, %scan3A_1014 = %broadcast_in_dim3A_271, %scan3A_1015 = %broadcast_in_dim3A_271, %scan3A_1016 = %broadcast_in_dim3A_271, %scan3A_1017 = %broadcast_in_dim3A_271, %scan3A_1018 = %broadcast_in_dim3A_273, %scan3A_1019 = %broadcast_in_dim3A_273, %scan3A_1020 = %broadcast_in_dim3A_273, %scan3A_1021 = %broadcast_in_dim3A_273, %scan3A_1022 = %broadcast_in_dim3A_273, %scan3A_1023 = %broadcast_in_dim3A_273, %scan3A_1024 = %broadcast_in_dim3A_273, %scan3A_1025 = %broadcast_in_dim3A_273) -> (vector<16xi32>, vector<16xf32>, vector<16xf32>, vector<16xf32>, vector<16xf32>, vector<16xf32>, vector<16xf32>, vector<16xf32>, vector<16xf32>, vector<16xi32>, vector<16xi32>, vector<16xi32>, vector<16xi32>, vector<16xi32>, vector<16xi32>, vector<16xi32>, vector<16xi32>)  : i32 {
      %mul3A_1026 = arith.constant 128 : i32
      %mul3A_1027 = arith.muli %scan3A_1008, %mul3A_1026 : i32
      %add3A_1028 = arith.constant 0 : i32
      %add3A_1029 = arith.addi %mul3A_1027, %add3A_1028 : i32
      %get3A = arith.index_cast %add3A_1029 : i32 to index
      %get3A_1030 = tpu.vector_load %arg5[%get3A] {strides = array<i32>} : memref<32768xf32, #tpu.memory_space<vmem>>, vector<16xf32>,
      %gt3A_1031 = arith.cmpf ogt, %get3A_1030, %scan3A_1010 : vector<16xf32>
      %select_n3A_1032 = arith.select %gt3A_1031, %get3A_1030, %scan3A_1010 : vector<16xi1>, vector<16xf32>
      %select_n3A_1033 = arith.select %gt3A_1031, %scan3A_1009, %scan3A_1018 : vector<16xi1>, vector<16xi32>
      %add3A_1034 = arith.constant 16 : i32
      %add3A_1035 = arith.addi %mul3A_1027, %add3A_1034 : i32
      %get3A_1036 = arith.index_cast %add3A_1035 : i32 to index
      %get3A_1037 = tpu.vector_load %arg5[%get3A_1036] {strides = array<i32>} : memref<32768xf32, #tpu.memory_space<vmem>>, vector<16xf32>,
      %gt3A_1038 = arith.cmpf ogt, %get3A_1037, %scan3A_1011 : vector<16xf32>
      %select_n3A_1039 = arith.select %gt3A_1038, %get3A_1037, %scan3A_1011 : vector<16xi1>, vector<16xf32>
      %select_n3A_1040 = arith.select %gt3A_1038, %scan3A_1009, %scan3A_1019 : vector<16xi1>, vector<16xi32>
      %add3A_1041 = arith.constant 32 : i32
      %add3A_1042 = arith.addi %mul3A_1027, %add3A_1041 : i32
      %get3A_1043 = arith.index_cast %add3A_1042 : i32 to index
      %get3A_1044 = tpu.vector_load %arg5[%get3A_1043] {strides = array<i32>} : memref<32768xf32, #tpu.memory_space<vmem>>, vector<16xf32>,
      %gt3A_1045 = arith.cmpf ogt, %get3A_1044, %scan3A_1012 : vector<16xf32>
      %select_n3A_1046 = arith.select %gt3A_1045, %get3A_1044, %scan3A_1012 : vector<16xi1>, vector<16xf32>
      %select_n3A_1047 = arith.select %gt3A_1045, %scan3A_1009, %scan3A_1020 : vector<16xi1>, vector<16xi32>
      %add3A_1048 = arith.constant 48 : i32
      %add3A_1049 = arith.addi %mul3A_1027, %add3A_1048 : i32
      %get3A_1050 = arith.index_cast %add3A_1049 : i32 to index
      %get3A_1051 = tpu.vector_load %arg5[%get3A_1050] {strides = array<i32>} : memref<32768xf32, #tpu.memory_space<vmem>>, vector<16xf32>,
      %gt3A_1052 = arith.cmpf ogt, %get3A_1051, %scan3A_1013 : vector<16xf32>
      %select_n3A_1053 = arith.select %gt3A_1052, %get3A_1051, %scan3A_1013 : vector<16xi1>, vector<16xf32>
      %select_n3A_1054 = arith.select %gt3A_1052, %scan3A_1009, %scan3A_1021 : vector<16xi1>, vector<16xi32>
      %add3A_1055 = arith.constant 64 : i32
      %add3A_1056 = arith.addi %mul3A_1027, %add3A_1055 : i32
      %get3A_1057 = arith.index_cast %add3A_1056 : i32 to index
      %get3A_1058 = tpu.vector_load %arg5[%get3A_1057] {strides = array<i32>} : memref<32768xf32, #tpu.memory_space<vmem>>, vector<16xf32>,
      %gt3A_1059 = arith.cmpf ogt, %get3A_1058, %scan3A_1014 : vector<16xf32>
      %select_n3A_1060 = arith.select %gt3A_1059, %get3A_1058, %scan3A_1014 : vector<16xi1>, vector<16xf32>
      %select_n3A_1061 = arith.select %gt3A_1059, %scan3A_1009, %scan3A_1022 : vector<16xi1>, vector<16xi32>
      %add3A_1062 = arith.constant 80 : i32
      %add3A_1063 = arith.addi %mul3A_1027, %add3A_1062 : i32
      %get3A_1064 = arith.index_cast %add3A_1063 : i32 to index
      %get3A_1065 = tpu.vector_load %arg5[%get3A_1064] {strides = array<i32>} : memref<32768xf32, #tpu.memory_space<vmem>>, vector<16xf32>,
      %gt3A_1066 = arith.cmpf ogt, %get3A_1065, %scan3A_1015 : vector<16xf32>
      %select_n3A_1067 = arith.select %gt3A_1066, %get3A_1065, %scan3A_1015 : vector<16xi1>, vector<16xf32>
      %select_n3A_1068 = arith.select %gt3A_1066, %scan3A_1009, %scan3A_1023 : vector<16xi1>, vector<16xi32>
      %add3A_1069 = arith.constant 96 : i32
      %add3A_1070 = arith.addi %mul3A_1027, %add3A_1069 : i32
      %get3A_1071 = arith.index_cast %add3A_1070 : i32 to index
      %get3A_1072 = tpu.vector_load %arg5[%get3A_1071] {strides = array<i32>} : memref<32768xf32, #tpu.memory_space<vmem>>, vector<16xf32>,
      %gt3A_1073 = arith.cmpf ogt, %get3A_1072, %scan3A_1016 : vector<16xf32>
      %select_n3A_1074 = arith.select %gt3A_1073, %get3A_1072, %scan3A_1016 : vector<16xi1>, vector<16xf32>
      %select_n3A_1075 = arith.select %gt3A_1073, %scan3A_1009, %scan3A_1024 : vector<16xi1>, vector<16xi32>
      %add3A_1076 = arith.constant 112 : i32
      %add3A_1077 = arith.addi %mul3A_1027, %add3A_1076 : i32
      %get3A_1078 = arith.index_cast %add3A_1077 : i32 to index
      %get3A_1079 = tpu.vector_load %arg5[%get3A_1078] {strides = array<i32>} : memref<32768xf32, #tpu.memory_space<vmem>>, vector<16xf32>,
      %gt3A_1080 = arith.cmpf ogt, %get3A_1079, %scan3A_1017 : vector<16xf32>
      %select_n3A_1081 = arith.select %gt3A_1080, %get3A_1079, %scan3A_1017 : vector<16xi1>, vector<16xf32>
      %select_n3A_1082 = arith.select %gt3A_1080, %scan3A_1009, %scan3A_1025 : vector<16xi1>, vector<16xi32>
      %add3A_1083 = arith.constant 1 : i32
      %add3A_1084 = vector.broadcast %add3A_1083 : i32 to vector<16xi32>
      %add3A_1085 = arith.addi %scan3A_1009, %add3A_1084 : vector<16xi32>
      scf.yield %add3A_1085, %select_n3A_1032, %select_n3A_1039, %select_n3A_1046, %select_n3A_1053, %select_n3A_1060, %select_n3A_1067, %select_n3A_1074, %select_n3A_1081, %select_n3A_1033, %select_n3A_1040, %select_n3A_1047, %select_n3A_1054, %select_n3A_1061, %select_n3A_1068, %select_n3A_1075, %select_n3A_1082 : vector<16xi32>, vector<16xf32>, vector<16xf32>, vector<16xf32>, vector<16xf32>, vector<16xf32>, vector<16xf32>, vector<16xf32>, vector<16xf32>, vector<16xi32>, vector<16xi32>, vector<16xi32>, vector<16xi32>, vector<16xi32>, vector<16xi32>, vector<16xi32>, vector<16xi32>
    }
    %scan3A_279 = arith.constant 256 : i32
    %mul3A_280 = arith.constant 8 : i32
    %mul3A_281 = vector.broadcast %mul3A_280 : i32 to vector<16xi32>
    %mul3A_282 = arith.muli %scan3A_278#9, %mul3A_281 : vector<16xi32>
    %add3A_283 = arith.constant 0 : i32
    %add3A_284 = vector.broadcast %add3A_283 : i32 to vector<16xi32>
    %add3A_285 = arith.addi %mul3A_282, %add3A_284 : vector<16xi32>
    %mul3A_286 = arith.constant 16 : i32
    %mul3A_287 = vector.broadcast %mul3A_286 : i32 to vector<16xi32>
    %mul3A_288 = arith.muli %add3A_285, %mul3A_287 : vector<16xi32>
    %add3A_289 = arith.addi %mul3A_288, %iota3A_269 : vector<16xi32>
    %mul3A_290 = arith.constant 8 : i32
    %mul3A_291 = vector.broadcast %mul3A_290 : i32 to vector<16xi32>
    %mul3A_292 = arith.muli %scan3A_278#10, %mul3A_291 : vector<16xi32>
    %add3A_293 = arith.constant 1 : i32
    %add3A_294 = vector.broadcast %add3A_293 : i32 to vector<16xi32>
    %add3A_295 = arith.addi %mul3A_292, %add3A_294 : vector<16xi32>
    %mul3A_296 = arith.constant 16 : i32
    %mul3A_297 = vector.broadcast %mul3A_296 : i32 to vector<16xi32>
    %mul3A_298 = arith.muli %add3A_295, %mul3A_297 : vector<16xi32>
    %add3A_299 = arith.addi %mul3A_298, %iota3A_269 : vector<16xi32>
    %gt3A_300 = arith.cmpf ogt, %scan3A_278#2, %scan3A_278#1 : vector<16xf32>
    %eq3A_301 = arith.cmpf oeq, %scan3A_278#2, %scan3A_278#1 : vector<16xf32>
    %lt3A_302 = arith.cmpi slt, %add3A_299, %add3A_289 : vector<16xi32>
    %and3A_303 = arith.andi %eq3A_301, %lt3A_302 : vector<16xi1>
    %or3A_304 = arith.ori %gt3A_300, %and3A_303 : vector<16xi1>
    %select_n3A_305 = arith.select %or3A_304, %scan3A_278#2, %scan3A_278#1 : vector<16xi1>, vector<16xf32>
    %select_n3A_306 = arith.select %or3A_304, %add3A_299, %add3A_289 : vector<16xi1>, vector<16xi32>
    %mul3A_307 = arith.constant 8 : i32
    %mul3A_308 = vector.broadcast %mul3A_307 : i32 to vector<16xi32>
    %mul3A_309 = arith.muli %scan3A_278#11, %mul3A_308 : vector<16xi32>
    %add3A_310 = arith.constant 2 : i32
    %add3A_311 = vector.broadcast %add3A_310 : i32 to vector<16xi32>
    %add3A_312 = arith.addi %mul3A_309, %add3A_311 : vector<16xi32>
    %mul3A_313 = arith.constant 16 : i32
    %mul3A_314 = vector.broadcast %mul3A_313 : i32 to vector<16xi32>
    %mul3A_315 = arith.muli %add3A_312, %mul3A_314 : vector<16xi32>
    %add3A_316 = arith.addi %mul3A_315, %iota3A_269 : vector<16xi32>
    %gt3A_317 = arith.cmpf ogt, %scan3A_278#3, %select_n3A_305 : vector<16xf32>
    %eq3A_318 = arith.cmpf oeq, %scan3A_278#3, %select_n3A_305 : vector<16xf32>
    %lt3A_319 = arith.cmpi slt, %add3A_316, %select_n3A_306 : vector<16xi32>
    %and3A_320 = arith.andi %eq3A_318, %lt3A_319 : vector<16xi1>
    %or3A_321 = arith.ori %gt3A_317, %and3A_320 : vector<16xi1>
    %select_n3A_322 = arith.select %or3A_321, %scan3A_278#3, %select_n3A_305 : vector<16xi1>, vector<16xf32>
    %select_n3A_323 = arith.select %or3A_321, %add3A_316, %select_n3A_306 : vector<16xi1>, vector<16xi32>
    %mul3A_324 = arith.constant 8 : i32
    %mul3A_325 = vector.broadcast %mul3A_324 : i32 to vector<16xi32>
    %mul3A_326 = arith.muli %scan3A_278#12, %mul3A_325 : vector<16xi32>
    %add3A_327 = arith.constant 3 : i32
    %add3A_328 = vector.broadcast %add3A_327 : i32 to vector<16xi32>
    %add3A_329 = arith.addi %mul3A_326, %add3A_328 : vector<16xi32>
    %mul3A_330 = arith.constant 16 : i32
    %mul3A_331 = vector.broadcast %mul3A_330 : i32 to vector<16xi32>
    %mul3A_332 = arith.muli %add3A_329, %mul3A_331 : vector<16xi32>
    %add3A_333 = arith.addi %mul3A_332, %iota3A_269 : vector<16xi32>
    %gt3A_334 = arith.cmpf ogt, %scan3A_278#4, %select_n3A_322 : vector<16xf32>
    %eq3A_335 = arith.cmpf oeq, %scan3A_278#4, %select_n3A_322 : vector<16xf32>
    %lt3A_336 = arith.cmpi slt, %add3A_333, %select_n3A_323 : vector<16xi32>
    %and3A_337 = arith.andi %eq3A_335, %lt3A_336 : vector<16xi1>
    %or3A_338 = arith.ori %gt3A_334, %and3A_337 : vector<16xi1>
    %select_n3A_339 = arith.select %or3A_338, %scan3A_278#4, %select_n3A_322 : vector<16xi1>, vector<16xf32>
    %select_n3A_340 = arith.select %or3A_338, %add3A_333, %select_n3A_323 : vector<16xi1>, vector<16xi32>
    %mul3A_341 = arith.constant 8 : i32
    %mul3A_342 = vector.broadcast %mul3A_341 : i32 to vector<16xi32>
    %mul3A_343 = arith.muli %scan3A_278#13, %mul3A_342 : vector<16xi32>
    %add3A_344 = arith.constant 4 : i32
    %add3A_345 = vector.broadcast %add3A_344 : i32 to vector<16xi32>
    %add3A_346 = arith.addi %mul3A_343, %add3A_345 : vector<16xi32>
    %mul3A_347 = arith.constant 16 : i32
    %mul3A_348 = vector.broadcast %mul3A_347 : i32 to vector<16xi32>
    %mul3A_349 = arith.muli %add3A_346, %mul3A_348 : vector<16xi32>
    %add3A_350 = arith.addi %mul3A_349, %iota3A_269 : vector<16xi32>
    %gt3A_351 = arith.cmpf ogt, %scan3A_278#5, %select_n3A_339 : vector<16xf32>
    %eq3A_352 = arith.cmpf oeq, %scan3A_278#5, %select_n3A_339 : vector<16xf32>
    %lt3A_353 = arith.cmpi slt, %add3A_350, %select_n3A_340 : vector<16xi32>
    %and3A_354 = arith.andi %eq3A_352, %lt3A_353 : vector<16xi1>
    %or3A_355 = arith.ori %gt3A_351, %and3A_354 : vector<16xi1>
    %select_n3A_356 = arith.select %or3A_355, %scan3A_278#5, %select_n3A_339 : vector<16xi1>, vector<16xf32>
    %select_n3A_357 = arith.select %or3A_355, %add3A_350, %select_n3A_340 : vector<16xi1>, vector<16xi32>
    %mul3A_358 = arith.constant 8 : i32
    %mul3A_359 = vector.broadcast %mul3A_358 : i32 to vector<16xi32>
    %mul3A_360 = arith.muli %scan3A_278#14, %mul3A_359 : vector<16xi32>
    %add3A_361 = arith.constant 5 : i32
    %add3A_362 = vector.broadcast %add3A_361 : i32 to vector<16xi32>
    %add3A_363 = arith.addi %mul3A_360, %add3A_362 : vector<16xi32>
    %mul3A_364 = arith.constant 16 : i32
    %mul3A_365 = vector.broadcast %mul3A_364 : i32 to vector<16xi32>
    %mul3A_366 = arith.muli %add3A_363, %mul3A_365 : vector<16xi32>
    %add3A_367 = arith.addi %mul3A_366, %iota3A_269 : vector<16xi32>
    %gt3A_368 = arith.cmpf ogt, %scan3A_278#6, %select_n3A_356 : vector<16xf32>
    %eq3A_369 = arith.cmpf oeq, %scan3A_278#6, %select_n3A_356 : vector<16xf32>
    %lt3A_370 = arith.cmpi slt, %add3A_367, %select_n3A_357 : vector<16xi32>
    %and3A_371 = arith.andi %eq3A_369, %lt3A_370 : vector<16xi1>
    %or3A_372 = arith.ori %gt3A_368, %and3A_371 : vector<16xi1>
    %select_n3A_373 = arith.select %or3A_372, %scan3A_278#6, %select_n3A_356 : vector<16xi1>, vector<16xf32>
    %select_n3A_374 = arith.select %or3A_372, %add3A_367, %select_n3A_357 : vector<16xi1>, vector<16xi32>
    %mul3A_375 = arith.constant 8 : i32
    %mul3A_376 = vector.broadcast %mul3A_375 : i32 to vector<16xi32>
    %mul3A_377 = arith.muli %scan3A_278#15, %mul3A_376 : vector<16xi32>
    %add3A_378 = arith.constant 6 : i32
    %add3A_379 = vector.broadcast %add3A_378 : i32 to vector<16xi32>
    %add3A_380 = arith.addi %mul3A_377, %add3A_379 : vector<16xi32>
    %mul3A_381 = arith.constant 16 : i32
    %mul3A_382 = vector.broadcast %mul3A_381 : i32 to vector<16xi32>
    %mul3A_383 = arith.muli %add3A_380, %mul3A_382 : vector<16xi32>
    %add3A_384 = arith.addi %mul3A_383, %iota3A_269 : vector<16xi32>
    %gt3A_385 = arith.cmpf ogt, %scan3A_278#7, %select_n3A_373 : vector<16xf32>
    %eq3A_386 = arith.cmpf oeq, %scan3A_278#7, %select_n3A_373 : vector<16xf32>
    %lt3A_387 = arith.cmpi slt, %add3A_384, %select_n3A_374 : vector<16xi32>
    %and3A_388 = arith.andi %eq3A_386, %lt3A_387 : vector<16xi1>
    %or3A_389 = arith.ori %gt3A_385, %and3A_388 : vector<16xi1>
    %select_n3A_390 = arith.select %or3A_389, %scan3A_278#7, %select_n3A_373 : vector<16xi1>, vector<16xf32>
    %select_n3A_391 = arith.select %or3A_389, %add3A_384, %select_n3A_374 : vector<16xi1>, vector<16xi32>
    %mul3A_392 = arith.constant 8 : i32
    %mul3A_393 = vector.broadcast %mul3A_392 : i32 to vector<16xi32>
    %mul3A_394 = arith.muli %scan3A_278#16, %mul3A_393 : vector<16xi32>
    %add3A_395 = arith.constant 7 : i32
    %add3A_396 = vector.broadcast %add3A_395 : i32 to vector<16xi32>
    %add3A_397 = arith.addi %mul3A_394, %add3A_396 : vector<16xi32>
    %mul3A_398 = arith.constant 16 : i32
    %mul3A_399 = vector.broadcast %mul3A_398 : i32 to vector<16xi32>
    %mul3A_400 = arith.muli %add3A_397, %mul3A_399 : vector<16xi32>
    %add3A_401 = arith.addi %mul3A_400, %iota3A_269 : vector<16xi32>
    %gt3A_402 = arith.cmpf ogt, %scan3A_278#8, %select_n3A_390 : vector<16xf32>
    %eq3A_403 = arith.cmpf oeq, %scan3A_278#8, %select_n3A_390 : vector<16xf32>
    %lt3A_404 = arith.cmpi slt, %add3A_401, %select_n3A_391 : vector<16xi32>
    %and3A_405 = arith.andi %eq3A_403, %lt3A_404 : vector<16xi1>
    %or3A_406 = arith.ori %gt3A_402, %and3A_405 : vector<16xi1>
    %select_n3A_407 = arith.select %or3A_406, %scan3A_278#8, %select_n3A_390 : vector<16xi1>, vector<16xf32>
    %select_n3A_408 = arith.select %or3A_406, %add3A_401, %select_n3A_391 : vector<16xi1>, vector<16xi32>
    %reduce_max3A_409 = arith.constant true
    %reduce_max3A_410 = vector.broadcast %reduce_max3A_409 : i1 to vector<16xi1>
    %reduce_max3A_411 = tpu.scan <max>, %select_n3A_407 masked %reduce_max3A_410 : vector<16xf32>, vector<16xi1> -> vector<16xf32>
    %reduce_max3A_412 = vector.extract %reduce_max3A_411[15] : f32 from vector<16xf32>
    %eq3A_413 = vector.broadcast %reduce_max3A_412 : f32 to vector<16xf32>
    %eq3A_414 = arith.cmpf oeq, %select_n3A_407, %eq3A_413 : vector<16xf32>
    %jit3A_415 = arith.constant 1073741824 : i32
    %broadcast_in_dim3A_416 = vector.broadcast %jit3A_415 : i32 to vector<16xi32>
    %select_n3A_417 = arith.select %eq3A_414, %select_n3A_408, %broadcast_in_dim3A_416 : vector<16xi1>, vector<16xi32>
    %reduce_min3A_418 = arith.constant true
    %reduce_min3A_419 = vector.broadcast %reduce_min3A_418 : i1 to vector<16xi1>
    %reduce_min3A_420 = arith.constant -2147483648 : i32
    %reduce_min3A_421 = vector.broadcast %reduce_min3A_420 : i32 to vector<16xi32>
    %reduce_min3A_422 = arith.xori %select_n3A_417, %reduce_min3A_421 : vector<16xi32>
    %reduce_min3A_423 = tpu.scan <min>, %reduce_min3A_422 masked %reduce_min3A_419 : vector<16xi32>, vector<16xi1> -> vector<16xi32>
    %reduce_min3A_424 = arith.xori %reduce_min3A_423, %reduce_min3A_421 : vector<16xi32>
    %reduce_min3A_425 = vector.extract %reduce_min3A_424[15] : i32 from vector<16xi32>
    %jit3A_426 = arith.constant 16 : i32
    %div3A_427 = arith.divsi %reduce_min3A_425, %jit3A_426 : i32
    %sign3A_428 = arith.constant 0 : i32
    %sign3A_429 = arith.cmpi sgt, %reduce_min3A_425, %sign3A_428 : i32
    %sign3A_430 = arith.extui %sign3A_429 : i1 to i32
    %sign3A_431 = arith.constant 0 : i32
    %sign3A_432 = arith.cmpi slt, %reduce_min3A_425, %sign3A_431 : i32
    %sign3A_433 = arith.extui %sign3A_432 : i1 to i32
    %sign3A_434 = arith.subi %sign3A_430, %sign3A_433 : i32
    %sign3A_435 = arith.constant 0 : i32
    %sign3A_436 = arith.cmpi sgt, %jit3A_426, %sign3A_435 : i32
    %sign3A_437 = arith.extui %sign3A_436 : i1 to i32
    %sign3A_438 = arith.constant 0 : i32
    %sign3A_439 = arith.cmpi slt, %jit3A_426, %sign3A_438 : i32
    %sign3A_440 = arith.extui %sign3A_439 : i1 to i32
    %sign3A_441 = arith.subi %sign3A_437, %sign3A_440 : i32
    %ne3A_442 = arith.cmpi ne, %sign3A_434, %sign3A_441 : i32
    %rem3A_443 = arith.remsi %reduce_min3A_425, %jit3A_426 : i32
    %ne3A_444 = arith.constant 0 : i32
    %ne3A_445 = arith.cmpi ne, %rem3A_443, %ne3A_444 : i32
    %and3A_446 = arith.andi %ne3A_442, %ne3A_445 : i1
    %sub3A_447 = arith.constant 1 : i32
    %sub3A_448 = arith.subi %div3A_427, %sub3A_447 : i32
    %select_n3A_449 = arith.select %and3A_446, %sub3A_448, %div3A_427 : i32
    %mul3A_450 = arith.constant 16 : i32
    %mul3A_451 = arith.muli %select_n3A_449, %mul3A_450 : i32
    %sub3A_452 = arith.subi %reduce_min3A_425, %mul3A_451 : i32
    %eq3A_453 = vector.broadcast %sub3A_452 : i32 to vector<16xi32>
    %eq3A_454 = arith.cmpi eq, %iota3A, %eq3A_453 : vector<16xi32>
    %jit3A_455 = arith.constant 1.000000e+00 : f32
    %jit3A_456 = arith.constant 0.000000e+00 : f32
    %broadcast_in_dim3A_457 = vector.broadcast %jit3A_455 : f32 to vector<16xf32>
    %broadcast_in_dim3A_458 = vector.broadcast %jit3A_456 : f32 to vector<16xf32>
    %select_n3A_459 = arith.select %eq3A_454, %broadcast_in_dim3A_457, %broadcast_in_dim3A_458 : vector<16xi1>, vector<16xf32>
    %swap3A_460 = arith.constant 1 : i32
    %swap3A_461 = arith.index_cast %swap3A_460 : i32 to index
    %swap3A_462 = arith.constant 0 : index
    %swap3A_463 = tpu.vector_load %arg7[%swap3A_461, %swap3A_462] {strides = array<i32>} : memref<4x16xf32, #tpu.memory_space<vmem>>, vector<16xf32>,
    tpu.vector_store %arg7[%swap3A_461, %swap3A_462], %select_n3A_459 {strides = array<i32>} : memref<4x16xf32, #tpu.memory_space<vmem>>, vector<16xf32>,
    %dma_wait3A_464 = arith.constant 0 : i32
    %dma_wait3A_465 = tpu.memref_slice %arg2[%add3A_262, %dma_wait3A_464] : memref<128x32768xf32, #tpu.memory_space<hbm>> -> memref<1x32768xf32, #tpu.memory_space<hbm>>
    %dma_wait3A_466 = tpu.memref_squeeze %dma_wait3A_465 : memref<1x32768xf32, #tpu.memory_space<hbm>> -> memref<32768xf32, #tpu.memory_space<hbm>>
    %dma_wait3A_467 = arith.constant 0 : i32
    %dma_wait3A_468 = tpu.memref_slice %arg2[%add3A_262, %dma_wait3A_467] : memref<128x32768xf32, #tpu.memory_space<hbm>> -> memref<1x32768xf32, #tpu.memory_space<hbm>>
    %dma_wait3A_469 = tpu.memref_squeeze %dma_wait3A_468 : memref<1x32768xf32, #tpu.memory_space<hbm>> -> memref<32768xf32, #tpu.memory_space<hbm>>
    tpu.wait_dma2 semaphore(%arg8 : memref<!tpu.dma_semaphore, #tpu.memory_space<semaphore_mem>>) src(%dma_wait3A_469 : memref<32768xf32, #tpu.memory_space<hbm>>) dst(%arg4 : memref<32768xf32, #tpu.memory_space<vmem>>)
    %add3A_470 = arith.constant 2 : i32
    %add3A_471 = arith.addi %mul3A_2, %add3A_470 : i32
    %add3A_472 = arith.constant 1 : i32
    %add3A_473 = arith.addi %add3A_471, %add3A_472 : i32
    %dma_start3A_474 = arith.constant 0 : i32
    %dma_start3A_475 = tpu.memref_slice %arg2[%add3A_473, %dma_start3A_474] : memref<128x32768xf32, #tpu.memory_space<hbm>> -> memref<1x32768xf32, #tpu.memory_space<hbm>>
    %dma_start3A_476 = tpu.memref_squeeze %dma_start3A_475 : memref<1x32768xf32, #tpu.memory_space<hbm>> -> memref<32768xf32, #tpu.memory_space<hbm>>
    %dma_start3A_477 = arith.constant 0 : i32
    %dma_start3A_478 = tpu.memref_slice %arg2[%add3A_473, %dma_start3A_477] : memref<128x32768xf32, #tpu.memory_space<hbm>> -> memref<1x32768xf32, #tpu.memory_space<hbm>>
    %dma_start3A_479 = tpu.memref_squeeze %dma_start3A_478 : memref<1x32768xf32, #tpu.memory_space<hbm>> -> memref<32768xf32, #tpu.memory_space<hbm>>
    tpu.enqueue_dma source(%dma_start3A_479 : memref<32768xf32, #tpu.memory_space<hbm>>) target(%arg5 : memref<32768xf32, #tpu.memory_space<vmem>>) target_semaphore(%arg8 : memref<!tpu.dma_semaphore, #tpu.memory_space<semaphore_mem>>)
    %iota3A_480 = tpu.iota {dimensions = array<i32: 0>} : vector<16xi32>
    %broadcast_in_dim3A_481 = arith.constant 0xFF800000 : f32
    %broadcast_in_dim3A_482 = vector.broadcast %broadcast_in_dim3A_481 : f32 to vector<16xf32>
    %broadcast_in_dim3A_483 = arith.constant 0 : i32
    %broadcast_in_dim3A_484 = vector.broadcast %broadcast_in_dim3A_483 : i32 to vector<16xi32>
    %scan3A_485 = arith.constant 0 : i32
    %scan3A_486 = arith.constant 256 : i32
    %scan3A_487 = arith.addi %scan3A_485, %scan3A_486 : i32
    %scan3A_488 = arith.constant 1 : i32
    %scan3A_489:17 = scf.for %scan3A_1008 = %scan3A_485 to %scan3A_487 step %scan3A_488 iter_args(%scan3A_1009 = %broadcast_in_dim3A_484, %scan3A_1010 = %broadcast_in_dim3A_482, %scan3A_1011 = %broadcast_in_dim3A_482, %scan3A_1012 = %broadcast_in_dim3A_482, %scan3A_1013 = %broadcast_in_dim3A_482, %scan3A_1014 = %broadcast_in_dim3A_482, %scan3A_1015 = %broadcast_in_dim3A_482, %scan3A_1016 = %broadcast_in_dim3A_482, %scan3A_1017 = %broadcast_in_dim3A_482, %scan3A_1018 = %broadcast_in_dim3A_484, %scan3A_1019 = %broadcast_in_dim3A_484, %scan3A_1020 = %broadcast_in_dim3A_484, %scan3A_1021 = %broadcast_in_dim3A_484, %scan3A_1022 = %broadcast_in_dim3A_484, %scan3A_1023 = %broadcast_in_dim3A_484, %scan3A_1024 = %broadcast_in_dim3A_484, %scan3A_1025 = %broadcast_in_dim3A_484) -> (vector<16xi32>, vector<16xf32>, vector<16xf32>, vector<16xf32>, vector<16xf32>, vector<16xf32>, vector<16xf32>, vector<16xf32>, vector<16xf32>, vector<16xi32>, vector<16xi32>, vector<16xi32>, vector<16xi32>, vector<16xi32>, vector<16xi32>, vector<16xi32>, vector<16xi32>)  : i32 {
      %mul3A_1026 = arith.constant 128 : i32
      %mul3A_1027 = arith.muli %scan3A_1008, %mul3A_1026 : i32
      %add3A_1028 = arith.constant 0 : i32
      %add3A_1029 = arith.addi %mul3A_1027, %add3A_1028 : i32
      %get3A = arith.index_cast %add3A_1029 : i32 to index
      %get3A_1030 = tpu.vector_load %arg4[%get3A] {strides = array<i32>} : memref<32768xf32, #tpu.memory_space<vmem>>, vector<16xf32>,
      %gt3A_1031 = arith.cmpf ogt, %get3A_1030, %scan3A_1010 : vector<16xf32>
      %select_n3A_1032 = arith.select %gt3A_1031, %get3A_1030, %scan3A_1010 : vector<16xi1>, vector<16xf32>
      %select_n3A_1033 = arith.select %gt3A_1031, %scan3A_1009, %scan3A_1018 : vector<16xi1>, vector<16xi32>
      %add3A_1034 = arith.constant 16 : i32
      %add3A_1035 = arith.addi %mul3A_1027, %add3A_1034 : i32
      %get3A_1036 = arith.index_cast %add3A_1035 : i32 to index
      %get3A_1037 = tpu.vector_load %arg4[%get3A_1036] {strides = array<i32>} : memref<32768xf32, #tpu.memory_space<vmem>>, vector<16xf32>,
      %gt3A_1038 = arith.cmpf ogt, %get3A_1037, %scan3A_1011 : vector<16xf32>
      %select_n3A_1039 = arith.select %gt3A_1038, %get3A_1037, %scan3A_1011 : vector<16xi1>, vector<16xf32>
      %select_n3A_1040 = arith.select %gt3A_1038, %scan3A_1009, %scan3A_1019 : vector<16xi1>, vector<16xi32>
      %add3A_1041 = arith.constant 32 : i32
      %add3A_1042 = arith.addi %mul3A_1027, %add3A_1041 : i32
      %get3A_1043 = arith.index_cast %add3A_1042 : i32 to index
      %get3A_1044 = tpu.vector_load %arg4[%get3A_1043] {strides = array<i32>} : memref<32768xf32, #tpu.memory_space<vmem>>, vector<16xf32>,
      %gt3A_1045 = arith.cmpf ogt, %get3A_1044, %scan3A_1012 : vector<16xf32>
      %select_n3A_1046 = arith.select %gt3A_1045, %get3A_1044, %scan3A_1012 : vector<16xi1>, vector<16xf32>
      %select_n3A_1047 = arith.select %gt3A_1045, %scan3A_1009, %scan3A_1020 : vector<16xi1>, vector<16xi32>
      %add3A_1048 = arith.constant 48 : i32
      %add3A_1049 = arith.addi %mul3A_1027, %add3A_1048 : i32
      %get3A_1050 = arith.index_cast %add3A_1049 : i32 to index
      %get3A_1051 = tpu.vector_load %arg4[%get3A_1050] {strides = array<i32>} : memref<32768xf32, #tpu.memory_space<vmem>>, vector<16xf32>,
      %gt3A_1052 = arith.cmpf ogt, %get3A_1051, %scan3A_1013 : vector<16xf32>
      %select_n3A_1053 = arith.select %gt3A_1052, %get3A_1051, %scan3A_1013 : vector<16xi1>, vector<16xf32>
      %select_n3A_1054 = arith.select %gt3A_1052, %scan3A_1009, %scan3A_1021 : vector<16xi1>, vector<16xi32>
      %add3A_1055 = arith.constant 64 : i32
      %add3A_1056 = arith.addi %mul3A_1027, %add3A_1055 : i32
      %get3A_1057 = arith.index_cast %add3A_1056 : i32 to index
      %get3A_1058 = tpu.vector_load %arg4[%get3A_1057] {strides = array<i32>} : memref<32768xf32, #tpu.memory_space<vmem>>, vector<16xf32>,
      %gt3A_1059 = arith.cmpf ogt, %get3A_1058, %scan3A_1014 : vector<16xf32>
      %select_n3A_1060 = arith.select %gt3A_1059, %get3A_1058, %scan3A_1014 : vector<16xi1>, vector<16xf32>
      %select_n3A_1061 = arith.select %gt3A_1059, %scan3A_1009, %scan3A_1022 : vector<16xi1>, vector<16xi32>
      %add3A_1062 = arith.constant 80 : i32
      %add3A_1063 = arith.addi %mul3A_1027, %add3A_1062 : i32
      %get3A_1064 = arith.index_cast %add3A_1063 : i32 to index
      %get3A_1065 = tpu.vector_load %arg4[%get3A_1064] {strides = array<i32>} : memref<32768xf32, #tpu.memory_space<vmem>>, vector<16xf32>,
      %gt3A_1066 = arith.cmpf ogt, %get3A_1065, %scan3A_1015 : vector<16xf32>
      %select_n3A_1067 = arith.select %gt3A_1066, %get3A_1065, %scan3A_1015 : vector<16xi1>, vector<16xf32>
      %select_n3A_1068 = arith.select %gt3A_1066, %scan3A_1009, %scan3A_1023 : vector<16xi1>, vector<16xi32>
      %add3A_1069 = arith.constant 96 : i32
      %add3A_1070 = arith.addi %mul3A_1027, %add3A_1069 : i32
      %get3A_1071 = arith.index_cast %add3A_1070 : i32 to index
      %get3A_1072 = tpu.vector_load %arg4[%get3A_1071] {strides = array<i32>} : memref<32768xf32, #tpu.memory_space<vmem>>, vector<16xf32>,
      %gt3A_1073 = arith.cmpf ogt, %get3A_1072, %scan3A_1016 : vector<16xf32>
      %select_n3A_1074 = arith.select %gt3A_1073, %get3A_1072, %scan3A_1016 : vector<16xi1>, vector<16xf32>
      %select_n3A_1075 = arith.select %gt3A_1073, %scan3A_1009, %scan3A_1024 : vector<16xi1>, vector<16xi32>
      %add3A_1076 = arith.constant 112 : i32
      %add3A_1077 = arith.addi %mul3A_1027, %add3A_1076 : i32
      %get3A_1078 = arith.index_cast %add3A_1077 : i32 to index
      %get3A_1079 = tpu.vector_load %arg4[%get3A_1078] {strides = array<i32>} : memref<32768xf32, #tpu.memory_space<vmem>>, vector<16xf32>,
      %gt3A_1080 = arith.cmpf ogt, %get3A_1079, %scan3A_1017 : vector<16xf32>
      %select_n3A_1081 = arith.select %gt3A_1080, %get3A_1079, %scan3A_1017 : vector<16xi1>, vector<16xf32>
      %select_n3A_1082 = arith.select %gt3A_1080, %scan3A_1009, %scan3A_1025 : vector<16xi1>, vector<16xi32>
      %add3A_1083 = arith.constant 1 : i32
      %add3A_1084 = vector.broadcast %add3A_1083 : i32 to vector<16xi32>
      %add3A_1085 = arith.addi %scan3A_1009, %add3A_1084 : vector<16xi32>
      scf.yield %add3A_1085, %select_n3A_1032, %select_n3A_1039, %select_n3A_1046, %select_n3A_1053, %select_n3A_1060, %select_n3A_1067, %select_n3A_1074, %select_n3A_1081, %select_n3A_1033, %select_n3A_1040, %select_n3A_1047, %select_n3A_1054, %select_n3A_1061, %select_n3A_1068, %select_n3A_1075, %select_n3A_1082 : vector<16xi32>, vector<16xf32>, vector<16xf32>, vector<16xf32>, vector<16xf32>, vector<16xf32>, vector<16xf32>, vector<16xf32>, vector<16xf32>, vector<16xi32>, vector<16xi32>, vector<16xi32>, vector<16xi32>, vector<16xi32>, vector<16xi32>, vector<16xi32>, vector<16xi32>
    }
    %scan3A_490 = arith.constant 256 : i32
    %mul3A_491 = arith.constant 8 : i32
    %mul3A_492 = vector.broadcast %mul3A_491 : i32 to vector<16xi32>
    %mul3A_493 = arith.muli %scan3A_489#9, %mul3A_492 : vector<16xi32>
    %add3A_494 = arith.constant 0 : i32
    %add3A_495 = vector.broadcast %add3A_494 : i32 to vector<16xi32>
    %add3A_496 = arith.addi %mul3A_493, %add3A_495 : vector<16xi32>
    %mul3A_497 = arith.constant 16 : i32
    %mul3A_498 = vector.broadcast %mul3A_497 : i32 to vector<16xi32>
    %mul3A_499 = arith.muli %add3A_496, %mul3A_498 : vector<16xi32>
    %add3A_500 = arith.addi %mul3A_499, %iota3A_480 : vector<16xi32>
    %mul3A_501 = arith.constant 8 : i32
    %mul3A_502 = vector.broadcast %mul3A_501 : i32 to vector<16xi32>
    %mul3A_503 = arith.muli %scan3A_489#10, %mul3A_502 : vector<16xi32>
    %add3A_504 = arith.constant 1 : i32
    %add3A_505 = vector.broadcast %add3A_504 : i32 to vector<16xi32>
    %add3A_506 = arith.addi %mul3A_503, %add3A_505 : vector<16xi32>
    %mul3A_507 = arith.constant 16 : i32
    %mul3A_508 = vector.broadcast %mul3A_507 : i32 to vector<16xi32>
    %mul3A_509 = arith.muli %add3A_506, %mul3A_508 : vector<16xi32>
    %add3A_510 = arith.addi %mul3A_509, %iota3A_480 : vector<16xi32>
    %gt3A_511 = arith.cmpf ogt, %scan3A_489#2, %scan3A_489#1 : vector<16xf32>
    %eq3A_512 = arith.cmpf oeq, %scan3A_489#2, %scan3A_489#1 : vector<16xf32>
    %lt3A_513 = arith.cmpi slt, %add3A_510, %add3A_500 : vector<16xi32>
    %and3A_514 = arith.andi %eq3A_512, %lt3A_513 : vector<16xi1>
    %or3A_515 = arith.ori %gt3A_511, %and3A_514 : vector<16xi1>
    %select_n3A_516 = arith.select %or3A_515, %scan3A_489#2, %scan3A_489#1 : vector<16xi1>, vector<16xf32>
    %select_n3A_517 = arith.select %or3A_515, %add3A_510, %add3A_500 : vector<16xi1>, vector<16xi32>
    %mul3A_518 = arith.constant 8 : i32
    %mul3A_519 = vector.broadcast %mul3A_518 : i32 to vector<16xi32>
    %mul3A_520 = arith.muli %scan3A_489#11, %mul3A_519 : vector<16xi32>
    %add3A_521 = arith.constant 2 : i32
    %add3A_522 = vector.broadcast %add3A_521 : i32 to vector<16xi32>
    %add3A_523 = arith.addi %mul3A_520, %add3A_522 : vector<16xi32>
    %mul3A_524 = arith.constant 16 : i32
    %mul3A_525 = vector.broadcast %mul3A_524 : i32 to vector<16xi32>
    %mul3A_526 = arith.muli %add3A_523, %mul3A_525 : vector<16xi32>
    %add3A_527 = arith.addi %mul3A_526, %iota3A_480 : vector<16xi32>
    %gt3A_528 = arith.cmpf ogt, %scan3A_489#3, %select_n3A_516 : vector<16xf32>
    %eq3A_529 = arith.cmpf oeq, %scan3A_489#3, %select_n3A_516 : vector<16xf32>
    %lt3A_530 = arith.cmpi slt, %add3A_527, %select_n3A_517 : vector<16xi32>
    %and3A_531 = arith.andi %eq3A_529, %lt3A_530 : vector<16xi1>
    %or3A_532 = arith.ori %gt3A_528, %and3A_531 : vector<16xi1>
    %select_n3A_533 = arith.select %or3A_532, %scan3A_489#3, %select_n3A_516 : vector<16xi1>, vector<16xf32>
    %select_n3A_534 = arith.select %or3A_532, %add3A_527, %select_n3A_517 : vector<16xi1>, vector<16xi32>
    %mul3A_535 = arith.constant 8 : i32
    %mul3A_536 = vector.broadcast %mul3A_535 : i32 to vector<16xi32>
    %mul3A_537 = arith.muli %scan3A_489#12, %mul3A_536 : vector<16xi32>
    %add3A_538 = arith.constant 3 : i32
    %add3A_539 = vector.broadcast %add3A_538 : i32 to vector<16xi32>
    %add3A_540 = arith.addi %mul3A_537, %add3A_539 : vector<16xi32>
    %mul3A_541 = arith.constant 16 : i32
    %mul3A_542 = vector.broadcast %mul3A_541 : i32 to vector<16xi32>
    %mul3A_543 = arith.muli %add3A_540, %mul3A_542 : vector<16xi32>
    %add3A_544 = arith.addi %mul3A_543, %iota3A_480 : vector<16xi32>
    %gt3A_545 = arith.cmpf ogt, %scan3A_489#4, %select_n3A_533 : vector<16xf32>
    %eq3A_546 = arith.cmpf oeq, %scan3A_489#4, %select_n3A_533 : vector<16xf32>
    %lt3A_547 = arith.cmpi slt, %add3A_544, %select_n3A_534 : vector<16xi32>
    %and3A_548 = arith.andi %eq3A_546, %lt3A_547 : vector<16xi1>
    %or3A_549 = arith.ori %gt3A_545, %and3A_548 : vector<16xi1>
    %select_n3A_550 = arith.select %or3A_549, %scan3A_489#4, %select_n3A_533 : vector<16xi1>, vector<16xf32>
    %select_n3A_551 = arith.select %or3A_549, %add3A_544, %select_n3A_534 : vector<16xi1>, vector<16xi32>
    %mul3A_552 = arith.constant 8 : i32
    %mul3A_553 = vector.broadcast %mul3A_552 : i32 to vector<16xi32>
    %mul3A_554 = arith.muli %scan3A_489#13, %mul3A_553 : vector<16xi32>
    %add3A_555 = arith.constant 4 : i32
    %add3A_556 = vector.broadcast %add3A_555 : i32 to vector<16xi32>
    %add3A_557 = arith.addi %mul3A_554, %add3A_556 : vector<16xi32>
    %mul3A_558 = arith.constant 16 : i32
    %mul3A_559 = vector.broadcast %mul3A_558 : i32 to vector<16xi32>
    %mul3A_560 = arith.muli %add3A_557, %mul3A_559 : vector<16xi32>
    %add3A_561 = arith.addi %mul3A_560, %iota3A_480 : vector<16xi32>
    %gt3A_562 = arith.cmpf ogt, %scan3A_489#5, %select_n3A_550 : vector<16xf32>
    %eq3A_563 = arith.cmpf oeq, %scan3A_489#5, %select_n3A_550 : vector<16xf32>
    %lt3A_564 = arith.cmpi slt, %add3A_561, %select_n3A_551 : vector<16xi32>
    %and3A_565 = arith.andi %eq3A_563, %lt3A_564 : vector<16xi1>
    %or3A_566 = arith.ori %gt3A_562, %and3A_565 : vector<16xi1>
    %select_n3A_567 = arith.select %or3A_566, %scan3A_489#5, %select_n3A_550 : vector<16xi1>, vector<16xf32>
    %select_n3A_568 = arith.select %or3A_566, %add3A_561, %select_n3A_551 : vector<16xi1>, vector<16xi32>
    %mul3A_569 = arith.constant 8 : i32
    %mul3A_570 = vector.broadcast %mul3A_569 : i32 to vector<16xi32>
    %mul3A_571 = arith.muli %scan3A_489#14, %mul3A_570 : vector<16xi32>
    %add3A_572 = arith.constant 5 : i32
    %add3A_573 = vector.broadcast %add3A_572 : i32 to vector<16xi32>
    %add3A_574 = arith.addi %mul3A_571, %add3A_573 : vector<16xi32>
    %mul3A_575 = arith.constant 16 : i32
    %mul3A_576 = vector.broadcast %mul3A_575 : i32 to vector<16xi32>
    %mul3A_577 = arith.muli %add3A_574, %mul3A_576 : vector<16xi32>
    %add3A_578 = arith.addi %mul3A_577, %iota3A_480 : vector<16xi32>
    %gt3A_579 = arith.cmpf ogt, %scan3A_489#6, %select_n3A_567 : vector<16xf32>
    %eq3A_580 = arith.cmpf oeq, %scan3A_489#6, %select_n3A_567 : vector<16xf32>
    %lt3A_581 = arith.cmpi slt, %add3A_578, %select_n3A_568 : vector<16xi32>
    %and3A_582 = arith.andi %eq3A_580, %lt3A_581 : vector<16xi1>
    %or3A_583 = arith.ori %gt3A_579, %and3A_582 : vector<16xi1>
    %select_n3A_584 = arith.select %or3A_583, %scan3A_489#6, %select_n3A_567 : vector<16xi1>, vector<16xf32>
    %select_n3A_585 = arith.select %or3A_583, %add3A_578, %select_n3A_568 : vector<16xi1>, vector<16xi32>
    %mul3A_586 = arith.constant 8 : i32
    %mul3A_587 = vector.broadcast %mul3A_586 : i32 to vector<16xi32>
    %mul3A_588 = arith.muli %scan3A_489#15, %mul3A_587 : vector<16xi32>
    %add3A_589 = arith.constant 6 : i32
    %add3A_590 = vector.broadcast %add3A_589 : i32 to vector<16xi32>
    %add3A_591 = arith.addi %mul3A_588, %add3A_590 : vector<16xi32>
    %mul3A_592 = arith.constant 16 : i32
    %mul3A_593 = vector.broadcast %mul3A_592 : i32 to vector<16xi32>
    %mul3A_594 = arith.muli %add3A_591, %mul3A_593 : vector<16xi32>
    %add3A_595 = arith.addi %mul3A_594, %iota3A_480 : vector<16xi32>
    %gt3A_596 = arith.cmpf ogt, %scan3A_489#7, %select_n3A_584 : vector<16xf32>
    %eq3A_597 = arith.cmpf oeq, %scan3A_489#7, %select_n3A_584 : vector<16xf32>
    %lt3A_598 = arith.cmpi slt, %add3A_595, %select_n3A_585 : vector<16xi32>
    %and3A_599 = arith.andi %eq3A_597, %lt3A_598 : vector<16xi1>
    %or3A_600 = arith.ori %gt3A_596, %and3A_599 : vector<16xi1>
    %select_n3A_601 = arith.select %or3A_600, %scan3A_489#7, %select_n3A_584 : vector<16xi1>, vector<16xf32>
    %select_n3A_602 = arith.select %or3A_600, %add3A_595, %select_n3A_585 : vector<16xi1>, vector<16xi32>
    %mul3A_603 = arith.constant 8 : i32
    %mul3A_604 = vector.broadcast %mul3A_603 : i32 to vector<16xi32>
    %mul3A_605 = arith.muli %scan3A_489#16, %mul3A_604 : vector<16xi32>
    %add3A_606 = arith.constant 7 : i32
    %add3A_607 = vector.broadcast %add3A_606 : i32 to vector<16xi32>
    %add3A_608 = arith.addi %mul3A_605, %add3A_607 : vector<16xi32>
    %mul3A_609 = arith.constant 16 : i32
    %mul3A_610 = vector.broadcast %mul3A_609 : i32 to vector<16xi32>
    %mul3A_611 = arith.muli %add3A_608, %mul3A_610 : vector<16xi32>
    %add3A_612 = arith.addi %mul3A_611, %iota3A_480 : vector<16xi32>
    %gt3A_613 = arith.cmpf ogt, %scan3A_489#8, %select_n3A_601 : vector<16xf32>
    %eq3A_614 = arith.cmpf oeq, %scan3A_489#8, %select_n3A_601 : vector<16xf32>
    %lt3A_615 = arith.cmpi slt, %add3A_612, %select_n3A_602 : vector<16xi32>
    %and3A_616 = arith.andi %eq3A_614, %lt3A_615 : vector<16xi1>
    %or3A_617 = arith.ori %gt3A_613, %and3A_616 : vector<16xi1>
    %select_n3A_618 = arith.select %or3A_617, %scan3A_489#8, %select_n3A_601 : vector<16xi1>, vector<16xf32>
    %select_n3A_619 = arith.select %or3A_617, %add3A_612, %select_n3A_602 : vector<16xi1>, vector<16xi32>
    %reduce_max3A_620 = arith.constant true
    %reduce_max3A_621 = vector.broadcast %reduce_max3A_620 : i1 to vector<16xi1>
    %reduce_max3A_622 = tpu.scan <max>, %select_n3A_618 masked %reduce_max3A_621 : vector<16xf32>, vector<16xi1> -> vector<16xf32>
    %reduce_max3A_623 = vector.extract %reduce_max3A_622[15] : f32 from vector<16xf32>
    %eq3A_624 = vector.broadcast %reduce_max3A_623 : f32 to vector<16xf32>
    %eq3A_625 = arith.cmpf oeq, %select_n3A_618, %eq3A_624 : vector<16xf32>
    %jit3A_626 = arith.constant 1073741824 : i32
    %broadcast_in_dim3A_627 = vector.broadcast %jit3A_626 : i32 to vector<16xi32>
    %select_n3A_628 = arith.select %eq3A_625, %select_n3A_619, %broadcast_in_dim3A_627 : vector<16xi1>, vector<16xi32>
    %reduce_min3A_629 = arith.constant true
    %reduce_min3A_630 = vector.broadcast %reduce_min3A_629 : i1 to vector<16xi1>
    %reduce_min3A_631 = arith.constant -2147483648 : i32
    %reduce_min3A_632 = vector.broadcast %reduce_min3A_631 : i32 to vector<16xi32>
    %reduce_min3A_633 = arith.xori %select_n3A_628, %reduce_min3A_632 : vector<16xi32>
    %reduce_min3A_634 = tpu.scan <min>, %reduce_min3A_633 masked %reduce_min3A_630 : vector<16xi32>, vector<16xi1> -> vector<16xi32>
    %reduce_min3A_635 = arith.xori %reduce_min3A_634, %reduce_min3A_632 : vector<16xi32>
    %reduce_min3A_636 = vector.extract %reduce_min3A_635[15] : i32 from vector<16xi32>
    %jit3A_637 = arith.constant 16 : i32
    %div3A_638 = arith.divsi %reduce_min3A_636, %jit3A_637 : i32
    %sign3A_639 = arith.constant 0 : i32
    %sign3A_640 = arith.cmpi sgt, %reduce_min3A_636, %sign3A_639 : i32
    %sign3A_641 = arith.extui %sign3A_640 : i1 to i32
    %sign3A_642 = arith.constant 0 : i32
    %sign3A_643 = arith.cmpi slt, %reduce_min3A_636, %sign3A_642 : i32
    %sign3A_644 = arith.extui %sign3A_643 : i1 to i32
    %sign3A_645 = arith.subi %sign3A_641, %sign3A_644 : i32
    %sign3A_646 = arith.constant 0 : i32
    %sign3A_647 = arith.cmpi sgt, %jit3A_637, %sign3A_646 : i32
    %sign3A_648 = arith.extui %sign3A_647 : i1 to i32
    %sign3A_649 = arith.constant 0 : i32
    %sign3A_650 = arith.cmpi slt, %jit3A_637, %sign3A_649 : i32
    %sign3A_651 = arith.extui %sign3A_650 : i1 to i32
    %sign3A_652 = arith.subi %sign3A_648, %sign3A_651 : i32
    %ne3A_653 = arith.cmpi ne, %sign3A_645, %sign3A_652 : i32
    %rem3A_654 = arith.remsi %reduce_min3A_636, %jit3A_637 : i32
    %ne3A_655 = arith.constant 0 : i32
    %ne3A_656 = arith.cmpi ne, %rem3A_654, %ne3A_655 : i32
    %and3A_657 = arith.andi %ne3A_653, %ne3A_656 : i1
    %sub3A_658 = arith.constant 1 : i32
    %sub3A_659 = arith.subi %div3A_638, %sub3A_658 : i32
    %select_n3A_660 = arith.select %and3A_657, %sub3A_659, %div3A_638 : i32
    %mul3A_661 = arith.constant 16 : i32
    %mul3A_662 = arith.muli %select_n3A_660, %mul3A_661 : i32
    %sub3A_663 = arith.subi %reduce_min3A_636, %mul3A_662 : i32
    %eq3A_664 = vector.broadcast %sub3A_663 : i32 to vector<16xi32>
    %eq3A_665 = arith.cmpi eq, %iota3A, %eq3A_664 : vector<16xi32>
    %jit3A_666 = arith.constant 1.000000e+00 : f32
    %jit3A_667 = arith.constant 0.000000e+00 : f32
    %broadcast_in_dim3A_668 = vector.broadcast %jit3A_666 : f32 to vector<16xf32>
    %broadcast_in_dim3A_669 = vector.broadcast %jit3A_667 : f32 to vector<16xf32>
    %select_n3A_670 = arith.select %eq3A_665, %broadcast_in_dim3A_668, %broadcast_in_dim3A_669 : vector<16xi1>, vector<16xf32>
    %swap3A_671 = arith.constant 2 : i32
    %swap3A_672 = arith.index_cast %swap3A_671 : i32 to index
    %swap3A_673 = arith.constant 0 : index
    %swap3A_674 = tpu.vector_load %arg7[%swap3A_672, %swap3A_673] {strides = array<i32>} : memref<4x16xf32, #tpu.memory_space<vmem>>, vector<16xf32>,
    tpu.vector_store %arg7[%swap3A_672, %swap3A_673], %select_n3A_670 {strides = array<i32>} : memref<4x16xf32, #tpu.memory_space<vmem>>, vector<16xf32>,
    %dma_wait3A_675 = arith.constant 0 : i32
    %dma_wait3A_676 = tpu.memref_slice %arg2[%add3A_473, %dma_wait3A_675] : memref<128x32768xf32, #tpu.memory_space<hbm>> -> memref<1x32768xf32, #tpu.memory_space<hbm>>
    %dma_wait3A_677 = tpu.memref_squeeze %dma_wait3A_676 : memref<1x32768xf32, #tpu.memory_space<hbm>> -> memref<32768xf32, #tpu.memory_space<hbm>>
    %dma_wait3A_678 = arith.constant 0 : i32
    %dma_wait3A_679 = tpu.memref_slice %arg2[%add3A_473, %dma_wait3A_678] : memref<128x32768xf32, #tpu.memory_space<hbm>> -> memref<1x32768xf32, #tpu.memory_space<hbm>>
    %dma_wait3A_680 = tpu.memref_squeeze %dma_wait3A_679 : memref<1x32768xf32, #tpu.memory_space<hbm>> -> memref<32768xf32, #tpu.memory_space<hbm>>
    tpu.wait_dma2 semaphore(%arg8 : memref<!tpu.dma_semaphore, #tpu.memory_space<semaphore_mem>>) src(%dma_wait3A_680 : memref<32768xf32, #tpu.memory_space<hbm>>) dst(%arg5 : memref<32768xf32, #tpu.memory_space<vmem>>)
    %iota3A_681 = tpu.iota {dimensions = array<i32: 0>} : vector<16xi32>
    %broadcast_in_dim3A_682 = arith.constant 0xFF800000 : f32
    %broadcast_in_dim3A_683 = vector.broadcast %broadcast_in_dim3A_682 : f32 to vector<16xf32>
    %broadcast_in_dim3A_684 = arith.constant 0 : i32
    %broadcast_in_dim3A_685 = vector.broadcast %broadcast_in_dim3A_684 : i32 to vector<16xi32>
    %scan3A_686 = arith.constant 0 : i32
    %scan3A_687 = arith.constant 256 : i32
    %scan3A_688 = arith.addi %scan3A_686, %scan3A_687 : i32
    %scan3A_689 = arith.constant 1 : i32
    %scan3A_690:17 = scf.for %scan3A_1008 = %scan3A_686 to %scan3A_688 step %scan3A_689 iter_args(%scan3A_1009 = %broadcast_in_dim3A_685, %scan3A_1010 = %broadcast_in_dim3A_683, %scan3A_1011 = %broadcast_in_dim3A_683, %scan3A_1012 = %broadcast_in_dim3A_683, %scan3A_1013 = %broadcast_in_dim3A_683, %scan3A_1014 = %broadcast_in_dim3A_683, %scan3A_1015 = %broadcast_in_dim3A_683, %scan3A_1016 = %broadcast_in_dim3A_683, %scan3A_1017 = %broadcast_in_dim3A_683, %scan3A_1018 = %broadcast_in_dim3A_685, %scan3A_1019 = %broadcast_in_dim3A_685, %scan3A_1020 = %broadcast_in_dim3A_685, %scan3A_1021 = %broadcast_in_dim3A_685, %scan3A_1022 = %broadcast_in_dim3A_685, %scan3A_1023 = %broadcast_in_dim3A_685, %scan3A_1024 = %broadcast_in_dim3A_685, %scan3A_1025 = %broadcast_in_dim3A_685) -> (vector<16xi32>, vector<16xf32>, vector<16xf32>, vector<16xf32>, vector<16xf32>, vector<16xf32>, vector<16xf32>, vector<16xf32>, vector<16xf32>, vector<16xi32>, vector<16xi32>, vector<16xi32>, vector<16xi32>, vector<16xi32>, vector<16xi32>, vector<16xi32>, vector<16xi32>)  : i32 {
      %mul3A_1026 = arith.constant 128 : i32
      %mul3A_1027 = arith.muli %scan3A_1008, %mul3A_1026 : i32
      %add3A_1028 = arith.constant 0 : i32
      %add3A_1029 = arith.addi %mul3A_1027, %add3A_1028 : i32
      %get3A = arith.index_cast %add3A_1029 : i32 to index
      %get3A_1030 = tpu.vector_load %arg5[%get3A] {strides = array<i32>} : memref<32768xf32, #tpu.memory_space<vmem>>, vector<16xf32>,
      %gt3A_1031 = arith.cmpf ogt, %get3A_1030, %scan3A_1010 : vector<16xf32>
      %select_n3A_1032 = arith.select %gt3A_1031, %get3A_1030, %scan3A_1010 : vector<16xi1>, vector<16xf32>
      %select_n3A_1033 = arith.select %gt3A_1031, %scan3A_1009, %scan3A_1018 : vector<16xi1>, vector<16xi32>
      %add3A_1034 = arith.constant 16 : i32
      %add3A_1035 = arith.addi %mul3A_1027, %add3A_1034 : i32
      %get3A_1036 = arith.index_cast %add3A_1035 : i32 to index
      %get3A_1037 = tpu.vector_load %arg5[%get3A_1036] {strides = array<i32>} : memref<32768xf32, #tpu.memory_space<vmem>>, vector<16xf32>,
      %gt3A_1038 = arith.cmpf ogt, %get3A_1037, %scan3A_1011 : vector<16xf32>
      %select_n3A_1039 = arith.select %gt3A_1038, %get3A_1037, %scan3A_1011 : vector<16xi1>, vector<16xf32>
      %select_n3A_1040 = arith.select %gt3A_1038, %scan3A_1009, %scan3A_1019 : vector<16xi1>, vector<16xi32>
      %add3A_1041 = arith.constant 32 : i32
      %add3A_1042 = arith.addi %mul3A_1027, %add3A_1041 : i32
      %get3A_1043 = arith.index_cast %add3A_1042 : i32 to index
      %get3A_1044 = tpu.vector_load %arg5[%get3A_1043] {strides = array<i32>} : memref<32768xf32, #tpu.memory_space<vmem>>, vector<16xf32>,
      %gt3A_1045 = arith.cmpf ogt, %get3A_1044, %scan3A_1012 : vector<16xf32>
      %select_n3A_1046 = arith.select %gt3A_1045, %get3A_1044, %scan3A_1012 : vector<16xi1>, vector<16xf32>
      %select_n3A_1047 = arith.select %gt3A_1045, %scan3A_1009, %scan3A_1020 : vector<16xi1>, vector<16xi32>
      %add3A_1048 = arith.constant 48 : i32
      %add3A_1049 = arith.addi %mul3A_1027, %add3A_1048 : i32
      %get3A_1050 = arith.index_cast %add3A_1049 : i32 to index
      %get3A_1051 = tpu.vector_load %arg5[%get3A_1050] {strides = array<i32>} : memref<32768xf32, #tpu.memory_space<vmem>>, vector<16xf32>,
      %gt3A_1052 = arith.cmpf ogt, %get3A_1051, %scan3A_1013 : vector<16xf32>
      %select_n3A_1053 = arith.select %gt3A_1052, %get3A_1051, %scan3A_1013 : vector<16xi1>, vector<16xf32>
      %select_n3A_1054 = arith.select %gt3A_1052, %scan3A_1009, %scan3A_1021 : vector<16xi1>, vector<16xi32>
      %add3A_1055 = arith.constant 64 : i32
      %add3A_1056 = arith.addi %mul3A_1027, %add3A_1055 : i32
      %get3A_1057 = arith.index_cast %add3A_1056 : i32 to index
      %get3A_1058 = tpu.vector_load %arg5[%get3A_1057] {strides = array<i32>} : memref<32768xf32, #tpu.memory_space<vmem>>, vector<16xf32>,
      %gt3A_1059 = arith.cmpf ogt, %get3A_1058, %scan3A_1014 : vector<16xf32>
      %select_n3A_1060 = arith.select %gt3A_1059, %get3A_1058, %scan3A_1014 : vector<16xi1>, vector<16xf32>
      %select_n3A_1061 = arith.select %gt3A_1059, %scan3A_1009, %scan3A_1022 : vector<16xi1>, vector<16xi32>
      %add3A_1062 = arith.constant 80 : i32
      %add3A_1063 = arith.addi %mul3A_1027, %add3A_1062 : i32
      %get3A_1064 = arith.index_cast %add3A_1063 : i32 to index
      %get3A_1065 = tpu.vector_load %arg5[%get3A_1064] {strides = array<i32>} : memref<32768xf32, #tpu.memory_space<vmem>>, vector<16xf32>,
      %gt3A_1066 = arith.cmpf ogt, %get3A_1065, %scan3A_1015 : vector<16xf32>
      %select_n3A_1067 = arith.select %gt3A_1066, %get3A_1065, %scan3A_1015 : vector<16xi1>, vector<16xf32>
      %select_n3A_1068 = arith.select %gt3A_1066, %scan3A_1009, %scan3A_1023 : vector<16xi1>, vector<16xi32>
      %add3A_1069 = arith.constant 96 : i32
      %add3A_1070 = arith.addi %mul3A_1027, %add3A_1069 : i32
      %get3A_1071 = arith.index_cast %add3A_1070 : i32 to index
      %get3A_1072 = tpu.vector_load %arg5[%get3A_1071] {strides = array<i32>} : memref<32768xf32, #tpu.memory_space<vmem>>, vector<16xf32>,
      %gt3A_1073 = arith.cmpf ogt, %get3A_1072, %scan3A_1016 : vector<16xf32>
      %select_n3A_1074 = arith.select %gt3A_1073, %get3A_1072, %scan3A_1016 : vector<16xi1>, vector<16xf32>
      %select_n3A_1075 = arith.select %gt3A_1073, %scan3A_1009, %scan3A_1024 : vector<16xi1>, vector<16xi32>
      %add3A_1076 = arith.constant 112 : i32
      %add3A_1077 = arith.addi %mul3A_1027, %add3A_1076 : i32
      %get3A_1078 = arith.index_cast %add3A_1077 : i32 to index
      %get3A_1079 = tpu.vector_load %arg5[%get3A_1078] {strides = array<i32>} : memref<32768xf32, #tpu.memory_space<vmem>>, vector<16xf32>,
      %gt3A_1080 = arith.cmpf ogt, %get3A_1079, %scan3A_1017 : vector<16xf32>
      %select_n3A_1081 = arith.select %gt3A_1080, %get3A_1079, %scan3A_1017 : vector<16xi1>, vector<16xf32>
      %select_n3A_1082 = arith.select %gt3A_1080, %scan3A_1009, %scan3A_1025 : vector<16xi1>, vector<16xi32>
      %add3A_1083 = arith.constant 1 : i32
      %add3A_1084 = vector.broadcast %add3A_1083 : i32 to vector<16xi32>
      %add3A_1085 = arith.addi %scan3A_1009, %add3A_1084 : vector<16xi32>
      scf.yield %add3A_1085, %select_n3A_1032, %select_n3A_1039, %select_n3A_1046, %select_n3A_1053, %select_n3A_1060, %select_n3A_1067, %select_n3A_1074, %select_n3A_1081, %select_n3A_1033, %select_n3A_1040, %select_n3A_1047, %select_n3A_1054, %select_n3A_1061, %select_n3A_1068, %select_n3A_1075, %select_n3A_1082 : vector<16xi32>, vector<16xf32>, vector<16xf32>, vector<16xf32>, vector<16xf32>, vector<16xf32>, vector<16xf32>, vector<16xf32>, vector<16xf32>, vector<16xi32>, vector<16xi32>, vector<16xi32>, vector<16xi32>, vector<16xi32>, vector<16xi32>, vector<16xi32>, vector<16xi32>
    }
    %scan3A_691 = arith.constant 256 : i32
    %mul3A_692 = arith.constant 8 : i32
    %mul3A_693 = vector.broadcast %mul3A_692 : i32 to vector<16xi32>
    %mul3A_694 = arith.muli %scan3A_690#9, %mul3A_693 : vector<16xi32>
    %add3A_695 = arith.constant 0 : i32
    %add3A_696 = vector.broadcast %add3A_695 : i32 to vector<16xi32>
    %add3A_697 = arith.addi %mul3A_694, %add3A_696 : vector<16xi32>
    %mul3A_698 = arith.constant 16 : i32
    %mul3A_699 = vector.broadcast %mul3A_698 : i32 to vector<16xi32>
    %mul3A_700 = arith.muli %add3A_697, %mul3A_699 : vector<16xi32>
    %add3A_701 = arith.addi %mul3A_700, %iota3A_681 : vector<16xi32>
    %mul3A_702 = arith.constant 8 : i32
    %mul3A_703 = vector.broadcast %mul3A_702 : i32 to vector<16xi32>
    %mul3A_704 = arith.muli %scan3A_690#10, %mul3A_703 : vector<16xi32>
    %add3A_705 = arith.constant 1 : i32
    %add3A_706 = vector.broadcast %add3A_705 : i32 to vector<16xi32>
    %add3A_707 = arith.addi %mul3A_704, %add3A_706 : vector<16xi32>
    %mul3A_708 = arith.constant 16 : i32
    %mul3A_709 = vector.broadcast %mul3A_708 : i32 to vector<16xi32>
    %mul3A_710 = arith.muli %add3A_707, %mul3A_709 : vector<16xi32>
    %add3A_711 = arith.addi %mul3A_710, %iota3A_681 : vector<16xi32>
    %gt3A_712 = arith.cmpf ogt, %scan3A_690#2, %scan3A_690#1 : vector<16xf32>
    %eq3A_713 = arith.cmpf oeq, %scan3A_690#2, %scan3A_690#1 : vector<16xf32>
    %lt3A_714 = arith.cmpi slt, %add3A_711, %add3A_701 : vector<16xi32>
    %and3A_715 = arith.andi %eq3A_713, %lt3A_714 : vector<16xi1>
    %or3A_716 = arith.ori %gt3A_712, %and3A_715 : vector<16xi1>
    %select_n3A_717 = arith.select %or3A_716, %scan3A_690#2, %scan3A_690#1 : vector<16xi1>, vector<16xf32>
    %select_n3A_718 = arith.select %or3A_716, %add3A_711, %add3A_701 : vector<16xi1>, vector<16xi32>
    %mul3A_719 = arith.constant 8 : i32
    %mul3A_720 = vector.broadcast %mul3A_719 : i32 to vector<16xi32>
    %mul3A_721 = arith.muli %scan3A_690#11, %mul3A_720 : vector<16xi32>
    %add3A_722 = arith.constant 2 : i32
    %add3A_723 = vector.broadcast %add3A_722 : i32 to vector<16xi32>
    %add3A_724 = arith.addi %mul3A_721, %add3A_723 : vector<16xi32>
    %mul3A_725 = arith.constant 16 : i32
    %mul3A_726 = vector.broadcast %mul3A_725 : i32 to vector<16xi32>
    %mul3A_727 = arith.muli %add3A_724, %mul3A_726 : vector<16xi32>
    %add3A_728 = arith.addi %mul3A_727, %iota3A_681 : vector<16xi32>
    %gt3A_729 = arith.cmpf ogt, %scan3A_690#3, %select_n3A_717 : vector<16xf32>
    %eq3A_730 = arith.cmpf oeq, %scan3A_690#3, %select_n3A_717 : vector<16xf32>
    %lt3A_731 = arith.cmpi slt, %add3A_728, %select_n3A_718 : vector<16xi32>
    %and3A_732 = arith.andi %eq3A_730, %lt3A_731 : vector<16xi1>
    %or3A_733 = arith.ori %gt3A_729, %and3A_732 : vector<16xi1>
    %select_n3A_734 = arith.select %or3A_733, %scan3A_690#3, %select_n3A_717 : vector<16xi1>, vector<16xf32>
    %select_n3A_735 = arith.select %or3A_733, %add3A_728, %select_n3A_718 : vector<16xi1>, vector<16xi32>
    %mul3A_736 = arith.constant 8 : i32
    %mul3A_737 = vector.broadcast %mul3A_736 : i32 to vector<16xi32>
    %mul3A_738 = arith.muli %scan3A_690#12, %mul3A_737 : vector<16xi32>
    %add3A_739 = arith.constant 3 : i32
    %add3A_740 = vector.broadcast %add3A_739 : i32 to vector<16xi32>
    %add3A_741 = arith.addi %mul3A_738, %add3A_740 : vector<16xi32>
    %mul3A_742 = arith.constant 16 : i32
    %mul3A_743 = vector.broadcast %mul3A_742 : i32 to vector<16xi32>
    %mul3A_744 = arith.muli %add3A_741, %mul3A_743 : vector<16xi32>
    %add3A_745 = arith.addi %mul3A_744, %iota3A_681 : vector<16xi32>
    %gt3A_746 = arith.cmpf ogt, %scan3A_690#4, %select_n3A_734 : vector<16xf32>
    %eq3A_747 = arith.cmpf oeq, %scan3A_690#4, %select_n3A_734 : vector<16xf32>
    %lt3A_748 = arith.cmpi slt, %add3A_745, %select_n3A_735 : vector<16xi32>
    %and3A_749 = arith.andi %eq3A_747, %lt3A_748 : vector<16xi1>
    %or3A_750 = arith.ori %gt3A_746, %and3A_749 : vector<16xi1>
    %select_n3A_751 = arith.select %or3A_750, %scan3A_690#4, %select_n3A_734 : vector<16xi1>, vector<16xf32>
    %select_n3A_752 = arith.select %or3A_750, %add3A_745, %select_n3A_735 : vector<16xi1>, vector<16xi32>
    %mul3A_753 = arith.constant 8 : i32
    %mul3A_754 = vector.broadcast %mul3A_753 : i32 to vector<16xi32>
    %mul3A_755 = arith.muli %scan3A_690#13, %mul3A_754 : vector<16xi32>
    %add3A_756 = arith.constant 4 : i32
    %add3A_757 = vector.broadcast %add3A_756 : i32 to vector<16xi32>
    %add3A_758 = arith.addi %mul3A_755, %add3A_757 : vector<16xi32>
    %mul3A_759 = arith.constant 16 : i32
    %mul3A_760 = vector.broadcast %mul3A_759 : i32 to vector<16xi32>
    %mul3A_761 = arith.muli %add3A_758, %mul3A_760 : vector<16xi32>
    %add3A_762 = arith.addi %mul3A_761, %iota3A_681 : vector<16xi32>
    %gt3A_763 = arith.cmpf ogt, %scan3A_690#5, %select_n3A_751 : vector<16xf32>
    %eq3A_764 = arith.cmpf oeq, %scan3A_690#5, %select_n3A_751 : vector<16xf32>
    %lt3A_765 = arith.cmpi slt, %add3A_762, %select_n3A_752 : vector<16xi32>
    %and3A_766 = arith.andi %eq3A_764, %lt3A_765 : vector<16xi1>
    %or3A_767 = arith.ori %gt3A_763, %and3A_766 : vector<16xi1>
    %select_n3A_768 = arith.select %or3A_767, %scan3A_690#5, %select_n3A_751 : vector<16xi1>, vector<16xf32>
    %select_n3A_769 = arith.select %or3A_767, %add3A_762, %select_n3A_752 : vector<16xi1>, vector<16xi32>
    %mul3A_770 = arith.constant 8 : i32
    %mul3A_771 = vector.broadcast %mul3A_770 : i32 to vector<16xi32>
    %mul3A_772 = arith.muli %scan3A_690#14, %mul3A_771 : vector<16xi32>
    %add3A_773 = arith.constant 5 : i32
    %add3A_774 = vector.broadcast %add3A_773 : i32 to vector<16xi32>
    %add3A_775 = arith.addi %mul3A_772, %add3A_774 : vector<16xi32>
    %mul3A_776 = arith.constant 16 : i32
    %mul3A_777 = vector.broadcast %mul3A_776 : i32 to vector<16xi32>
    %mul3A_778 = arith.muli %add3A_775, %mul3A_777 : vector<16xi32>
    %add3A_779 = arith.addi %mul3A_778, %iota3A_681 : vector<16xi32>
    %gt3A_780 = arith.cmpf ogt, %scan3A_690#6, %select_n3A_768 : vector<16xf32>
    %eq3A_781 = arith.cmpf oeq, %scan3A_690#6, %select_n3A_768 : vector<16xf32>
    %lt3A_782 = arith.cmpi slt, %add3A_779, %select_n3A_769 : vector<16xi32>
    %and3A_783 = arith.andi %eq3A_781, %lt3A_782 : vector<16xi1>
    %or3A_784 = arith.ori %gt3A_780, %and3A_783 : vector<16xi1>
    %select_n3A_785 = arith.select %or3A_784, %scan3A_690#6, %select_n3A_768 : vector<16xi1>, vector<16xf32>
    %select_n3A_786 = arith.select %or3A_784, %add3A_779, %select_n3A_769 : vector<16xi1>, vector<16xi32>
    %mul3A_787 = arith.constant 8 : i32
    %mul3A_788 = vector.broadcast %mul3A_787 : i32 to vector<16xi32>
    %mul3A_789 = arith.muli %scan3A_690#15, %mul3A_788 : vector<16xi32>
    %add3A_790 = arith.constant 6 : i32
    %add3A_791 = vector.broadcast %add3A_790 : i32 to vector<16xi32>
    %add3A_792 = arith.addi %mul3A_789, %add3A_791 : vector<16xi32>
    %mul3A_793 = arith.constant 16 : i32
    %mul3A_794 = vector.broadcast %mul3A_793 : i32 to vector<16xi32>
    %mul3A_795 = arith.muli %add3A_792, %mul3A_794 : vector<16xi32>
    %add3A_796 = arith.addi %mul3A_795, %iota3A_681 : vector<16xi32>
    %gt3A_797 = arith.cmpf ogt, %scan3A_690#7, %select_n3A_785 : vector<16xf32>
    %eq3A_798 = arith.cmpf oeq, %scan3A_690#7, %select_n3A_785 : vector<16xf32>
    %lt3A_799 = arith.cmpi slt, %add3A_796, %select_n3A_786 : vector<16xi32>
    %and3A_800 = arith.andi %eq3A_798, %lt3A_799 : vector<16xi1>
    %or3A_801 = arith.ori %gt3A_797, %and3A_800 : vector<16xi1>
    %select_n3A_802 = arith.select %or3A_801, %scan3A_690#7, %select_n3A_785 : vector<16xi1>, vector<16xf32>
    %select_n3A_803 = arith.select %or3A_801, %add3A_796, %select_n3A_786 : vector<16xi1>, vector<16xi32>
    %mul3A_804 = arith.constant 8 : i32
    %mul3A_805 = vector.broadcast %mul3A_804 : i32 to vector<16xi32>
    %mul3A_806 = arith.muli %scan3A_690#16, %mul3A_805 : vector<16xi32>
    %add3A_807 = arith.constant 7 : i32
    %add3A_808 = vector.broadcast %add3A_807 : i32 to vector<16xi32>
    %add3A_809 = arith.addi %mul3A_806, %add3A_808 : vector<16xi32>
    %mul3A_810 = arith.constant 16 : i32
    %mul3A_811 = vector.broadcast %mul3A_810 : i32 to vector<16xi32>
    %mul3A_812 = arith.muli %add3A_809, %mul3A_811 : vector<16xi32>
    %add3A_813 = arith.addi %mul3A_812, %iota3A_681 : vector<16xi32>
    %gt3A_814 = arith.cmpf ogt, %scan3A_690#8, %select_n3A_802 : vector<16xf32>
    %eq3A_815 = arith.cmpf oeq, %scan3A_690#8, %select_n3A_802 : vector<16xf32>
    %lt3A_816 = arith.cmpi slt, %add3A_813, %select_n3A_803 : vector<16xi32>
    %and3A_817 = arith.andi %eq3A_815, %lt3A_816 : vector<16xi1>
    %or3A_818 = arith.ori %gt3A_814, %and3A_817 : vector<16xi1>
    %select_n3A_819 = arith.select %or3A_818, %scan3A_690#8, %select_n3A_802 : vector<16xi1>, vector<16xf32>
    %select_n3A_820 = arith.select %or3A_818, %add3A_813, %select_n3A_803 : vector<16xi1>, vector<16xi32>
    %reduce_max3A_821 = arith.constant true
    %reduce_max3A_822 = vector.broadcast %reduce_max3A_821 : i1 to vector<16xi1>
    %reduce_max3A_823 = tpu.scan <max>, %select_n3A_819 masked %reduce_max3A_822 : vector<16xf32>, vector<16xi1> -> vector<16xf32>
    %reduce_max3A_824 = vector.extract %reduce_max3A_823[15] : f32 from vector<16xf32>
    %eq3A_825 = vector.broadcast %reduce_max3A_824 : f32 to vector<16xf32>
    %eq3A_826 = arith.cmpf oeq, %select_n3A_819, %eq3A_825 : vector<16xf32>
    %jit3A_827 = arith.constant 1073741824 : i32
    %broadcast_in_dim3A_828 = vector.broadcast %jit3A_827 : i32 to vector<16xi32>
    %select_n3A_829 = arith.select %eq3A_826, %select_n3A_820, %broadcast_in_dim3A_828 : vector<16xi1>, vector<16xi32>
    %reduce_min3A_830 = arith.constant true
    %reduce_min3A_831 = vector.broadcast %reduce_min3A_830 : i1 to vector<16xi1>
    %reduce_min3A_832 = arith.constant -2147483648 : i32
    %reduce_min3A_833 = vector.broadcast %reduce_min3A_832 : i32 to vector<16xi32>
    %reduce_min3A_834 = arith.xori %select_n3A_829, %reduce_min3A_833 : vector<16xi32>
    %reduce_min3A_835 = tpu.scan <min>, %reduce_min3A_834 masked %reduce_min3A_831 : vector<16xi32>, vector<16xi1> -> vector<16xi32>
    %reduce_min3A_836 = arith.xori %reduce_min3A_835, %reduce_min3A_833 : vector<16xi32>
    %reduce_min3A_837 = vector.extract %reduce_min3A_836[15] : i32 from vector<16xi32>
    %jit3A_838 = arith.constant 16 : i32
    %div3A_839 = arith.divsi %reduce_min3A_837, %jit3A_838 : i32
    %sign3A_840 = arith.constant 0 : i32
    %sign3A_841 = arith.cmpi sgt, %reduce_min3A_837, %sign3A_840 : i32
    %sign3A_842 = arith.extui %sign3A_841 : i1 to i32
    %sign3A_843 = arith.constant 0 : i32
    %sign3A_844 = arith.cmpi slt, %reduce_min3A_837, %sign3A_843 : i32
    %sign3A_845 = arith.extui %sign3A_844 : i1 to i32
    %sign3A_846 = arith.subi %sign3A_842, %sign3A_845 : i32
    %sign3A_847 = arith.constant 0 : i32
    %sign3A_848 = arith.cmpi sgt, %jit3A_838, %sign3A_847 : i32
    %sign3A_849 = arith.extui %sign3A_848 : i1 to i32
    %sign3A_850 = arith.constant 0 : i32
    %sign3A_851 = arith.cmpi slt, %jit3A_838, %sign3A_850 : i32
    %sign3A_852 = arith.extui %sign3A_851 : i1 to i32
    %sign3A_853 = arith.subi %sign3A_849, %sign3A_852 : i32
    %ne3A_854 = arith.cmpi ne, %sign3A_846, %sign3A_853 : i32
    %rem3A_855 = arith.remsi %reduce_min3A_837, %jit3A_838 : i32
    %ne3A_856 = arith.constant 0 : i32
    %ne3A_857 = arith.cmpi ne, %rem3A_855, %ne3A_856 : i32
    %and3A_858 = arith.andi %ne3A_854, %ne3A_857 : i1
    %sub3A_859 = arith.constant 1 : i32
    %sub3A_860 = arith.subi %div3A_839, %sub3A_859 : i32
    %select_n3A_861 = arith.select %and3A_858, %sub3A_860, %div3A_839 : i32
    %mul3A_862 = arith.constant 16 : i32
    %mul3A_863 = arith.muli %select_n3A_861, %mul3A_862 : i32
    %sub3A_864 = arith.subi %reduce_min3A_837, %mul3A_863 : i32
    %eq3A_865 = vector.broadcast %sub3A_864 : i32 to vector<16xi32>
    %eq3A_866 = arith.cmpi eq, %iota3A, %eq3A_865 : vector<16xi32>
    %jit3A_867 = arith.constant 1.000000e+00 : f32
    %jit3A_868 = arith.constant 0.000000e+00 : f32
    %broadcast_in_dim3A_869 = vector.broadcast %jit3A_867 : f32 to vector<16xf32>
    %broadcast_in_dim3A_870 = vector.broadcast %jit3A_868 : f32 to vector<16xf32>
    %select_n3A_871 = arith.select %eq3A_866, %broadcast_in_dim3A_869, %broadcast_in_dim3A_870 : vector<16xi1>, vector<16xf32>
    %swap3A_872 = arith.constant 3 : i32
    %swap3A_873 = arith.index_cast %swap3A_872 : i32 to index
    %swap3A_874 = arith.constant 0 : index
    %swap3A_875 = tpu.vector_load %arg7[%swap3A_873, %swap3A_874] {strides = array<i32>} : memref<4x16xf32, #tpu.memory_space<vmem>>, vector<16xf32>,
    tpu.vector_store %arg7[%swap3A_873, %swap3A_874], %select_n3A_871 {strides = array<i32>} : memref<4x16xf32, #tpu.memory_space<vmem>>, vector<16xf32>,
    %dma_wait3A_876 = arith.constant 0 : i32
    %dma_wait3A_877 = arith.constant 0 : i32
    %dma_wait3A_878 = tpu.memref_slice %arg3[%add3A_15, %dma_wait3A_877] : memref<128x32768xf32, #tpu.memory_space<hbm>> -> memref<1x32768xf32, #tpu.memory_space<hbm>>
    %dma_wait3A_879 = tpu.memref_squeeze %dma_wait3A_878 : memref<1x32768xf32, #tpu.memory_space<hbm>> -> memref<32768xf32, #tpu.memory_space<hbm>>
    %dma_wait3A_880 = tpu.memref_slice %arg9[%dma_wait3A_876] : memref<4x!tpu.dma_semaphore, #tpu.memory_space<semaphore_mem>> -> memref<1x!tpu.dma_semaphore, #tpu.memory_space<semaphore_mem>>
    %dma_wait3A_881 = tpu.memref_squeeze %dma_wait3A_880 : memref<1x!tpu.dma_semaphore, #tpu.memory_space<semaphore_mem>> -> memref<!tpu.dma_semaphore, #tpu.memory_space<semaphore_mem>>
    %dma_wait3A_882 = arith.constant 0 : i32
    %dma_wait3A_883 = tpu.memref_slice %arg3[%add3A_15, %dma_wait3A_882] : memref<128x32768xf32, #tpu.memory_space<hbm>> -> memref<1x32768xf32, #tpu.memory_space<hbm>>
    %dma_wait3A_884 = tpu.memref_squeeze %dma_wait3A_883 : memref<1x32768xf32, #tpu.memory_space<hbm>> -> memref<32768xf32, #tpu.memory_space<hbm>>
    tpu.wait_dma2 semaphore(%dma_wait3A_881 : memref<!tpu.dma_semaphore, #tpu.memory_space<semaphore_mem>>) src(%arg6 : memref<32768xf32, #tpu.memory_space<vmem>>) dst(%dma_wait3A_884 : memref<32768xf32, #tpu.memory_space<hbm>>)
    %add3A_885 = arith.constant 0 : i32
    %add3A_886 = arith.addi %mul3A_2, %add3A_885 : i32
    %dma_start3A_887 = arith.constant 0 : i32
    %dma_start3A_888 = arith.constant 0 : i32
    %dma_start3A_889 = tpu.memref_slice %arg7[%dma_start3A_887, %dma_start3A_888] : memref<4x16xf32, #tpu.memory_space<vmem>> -> memref<1x16xf32, #tpu.memory_space<vmem>>
    %dma_start3A_890 = tpu.memref_squeeze %dma_start3A_889 : memref<1x16xf32, #tpu.memory_space<vmem>> -> memref<16xf32, #tpu.memory_space<vmem>>
    %dma_start3A_891 = tpu.memref_slice %arg3[%add3A_886, %mul3A_241] : memref<128x32768xf32, #tpu.memory_space<hbm>> -> memref<1x16xf32, #tpu.memory_space<hbm>>
    %dma_start3A_892 = tpu.memref_squeeze %dma_start3A_891 : memref<1x16xf32, #tpu.memory_space<hbm>> -> memref<16xf32, #tpu.memory_space<hbm>>
    %dma_start3A_893 = tpu.memref_slice %arg3[%add3A_886, %mul3A_241] : memref<128x32768xf32, #tpu.memory_space<hbm>> -> memref<1x16xf32, #tpu.memory_space<hbm>>
    %dma_start3A_894 = tpu.memref_squeeze %dma_start3A_893 : memref<1x16xf32, #tpu.memory_space<hbm>> -> memref<16xf32, #tpu.memory_space<hbm>>
    %dma_start3A_895 = arith.constant 0 : i32
    %dma_start3A_896 = tpu.memref_slice %arg7[%dma_start3A_887, %dma_start3A_895] : memref<4x16xf32, #tpu.memory_space<vmem>> -> memref<1x16xf32, #tpu.memory_space<vmem>>
    %dma_start3A_897 = tpu.memref_squeeze %dma_start3A_896 : memref<1x16xf32, #tpu.memory_space<vmem>> -> memref<16xf32, #tpu.memory_space<vmem>>
    tpu.enqueue_dma source(%dma_start3A_897 : memref<16xf32, #tpu.memory_space<vmem>>) target(%dma_start3A_894 : memref<16xf32, #tpu.memory_space<hbm>>) target_semaphore(%arg10 : memref<!tpu.dma_semaphore, #tpu.memory_space<semaphore_mem>>)
    %dma_wait3A_898 = arith.constant 1 : i32
    %dma_wait3A_899 = arith.constant 0 : i32
    %dma_wait3A_900 = tpu.memref_slice %arg3[%add3A_26, %dma_wait3A_899] : memref<128x32768xf32, #tpu.memory_space<hbm>> -> memref<1x32768xf32, #tpu.memory_space<hbm>>
    %dma_wait3A_901 = tpu.memref_squeeze %dma_wait3A_900 : memref<1x32768xf32, #tpu.memory_space<hbm>> -> memref<32768xf32, #tpu.memory_space<hbm>>
    %dma_wait3A_902 = tpu.memref_slice %arg9[%dma_wait3A_898] : memref<4x!tpu.dma_semaphore, #tpu.memory_space<semaphore_mem>> -> memref<1x!tpu.dma_semaphore, #tpu.memory_space<semaphore_mem>>
    %dma_wait3A_903 = tpu.memref_squeeze %dma_wait3A_902 : memref<1x!tpu.dma_semaphore, #tpu.memory_space<semaphore_mem>> -> memref<!tpu.dma_semaphore, #tpu.memory_space<semaphore_mem>>
    %dma_wait3A_904 = arith.constant 0 : i32
    %dma_wait3A_905 = tpu.memref_slice %arg3[%add3A_26, %dma_wait3A_904] : memref<128x32768xf32, #tpu.memory_space<hbm>> -> memref<1x32768xf32, #tpu.memory_space<hbm>>
    %dma_wait3A_906 = tpu.memref_squeeze %dma_wait3A_905 : memref<1x32768xf32, #tpu.memory_space<hbm>> -> memref<32768xf32, #tpu.memory_space<hbm>>
    tpu.wait_dma2 semaphore(%dma_wait3A_903 : memref<!tpu.dma_semaphore, #tpu.memory_space<semaphore_mem>>) src(%arg6 : memref<32768xf32, #tpu.memory_space<vmem>>) dst(%dma_wait3A_906 : memref<32768xf32, #tpu.memory_space<hbm>>)
    %add3A_907 = arith.constant 1 : i32
    %add3A_908 = arith.addi %mul3A_2, %add3A_907 : i32
    %dma_start3A_909 = arith.constant 1 : i32
    %dma_start3A_910 = arith.constant 0 : i32
    %dma_start3A_911 = tpu.memref_slice %arg7[%dma_start3A_909, %dma_start3A_910] : memref<4x16xf32, #tpu.memory_space<vmem>> -> memref<1x16xf32, #tpu.memory_space<vmem>>
    %dma_start3A_912 = tpu.memref_squeeze %dma_start3A_911 : memref<1x16xf32, #tpu.memory_space<vmem>> -> memref<16xf32, #tpu.memory_space<vmem>>
    %dma_start3A_913 = tpu.memref_slice %arg3[%add3A_908, %mul3A_451] : memref<128x32768xf32, #tpu.memory_space<hbm>> -> memref<1x16xf32, #tpu.memory_space<hbm>>
    %dma_start3A_914 = tpu.memref_squeeze %dma_start3A_913 : memref<1x16xf32, #tpu.memory_space<hbm>> -> memref<16xf32, #tpu.memory_space<hbm>>
    %dma_start3A_915 = tpu.memref_slice %arg3[%add3A_908, %mul3A_451] : memref<128x32768xf32, #tpu.memory_space<hbm>> -> memref<1x16xf32, #tpu.memory_space<hbm>>
    %dma_start3A_916 = tpu.memref_squeeze %dma_start3A_915 : memref<1x16xf32, #tpu.memory_space<hbm>> -> memref<16xf32, #tpu.memory_space<hbm>>
    %dma_start3A_917 = arith.constant 0 : i32
    %dma_start3A_918 = tpu.memref_slice %arg7[%dma_start3A_909, %dma_start3A_917] : memref<4x16xf32, #tpu.memory_space<vmem>> -> memref<1x16xf32, #tpu.memory_space<vmem>>
    %dma_start3A_919 = tpu.memref_squeeze %dma_start3A_918 : memref<1x16xf32, #tpu.memory_space<vmem>> -> memref<16xf32, #tpu.memory_space<vmem>>
    tpu.enqueue_dma source(%dma_start3A_919 : memref<16xf32, #tpu.memory_space<vmem>>) target(%dma_start3A_916 : memref<16xf32, #tpu.memory_space<hbm>>) target_semaphore(%arg10 : memref<!tpu.dma_semaphore, #tpu.memory_space<semaphore_mem>>)
    %dma_wait3A_920 = arith.constant 2 : i32
    %dma_wait3A_921 = arith.constant 0 : i32
    %dma_wait3A_922 = tpu.memref_slice %arg3[%add3A_37, %dma_wait3A_921] : memref<128x32768xf32, #tpu.memory_space<hbm>> -> memref<1x32768xf32, #tpu.memory_space<hbm>>
    %dma_wait3A_923 = tpu.memref_squeeze %dma_wait3A_922 : memref<1x32768xf32, #tpu.memory_space<hbm>> -> memref<32768xf32, #tpu.memory_space<hbm>>
    %dma_wait3A_924 = tpu.memref_slice %arg9[%dma_wait3A_920] : memref<4x!tpu.dma_semaphore, #tpu.memory_space<semaphore_mem>> -> memref<1x!tpu.dma_semaphore, #tpu.memory_space<semaphore_mem>>
    %dma_wait3A_925 = tpu.memref_squeeze %dma_wait3A_924 : memref<1x!tpu.dma_semaphore, #tpu.memory_space<semaphore_mem>> -> memref<!tpu.dma_semaphore, #tpu.memory_space<semaphore_mem>>
    %dma_wait3A_926 = arith.constant 0 : i32
    %dma_wait3A_927 = tpu.memref_slice %arg3[%add3A_37, %dma_wait3A_926] : memref<128x32768xf32, #tpu.memory_space<hbm>> -> memref<1x32768xf32, #tpu.memory_space<hbm>>
    %dma_wait3A_928 = tpu.memref_squeeze %dma_wait3A_927 : memref<1x32768xf32, #tpu.memory_space<hbm>> -> memref<32768xf32, #tpu.memory_space<hbm>>
    tpu.wait_dma2 semaphore(%dma_wait3A_925 : memref<!tpu.dma_semaphore, #tpu.memory_space<semaphore_mem>>) src(%arg6 : memref<32768xf32, #tpu.memory_space<vmem>>) dst(%dma_wait3A_928 : memref<32768xf32, #tpu.memory_space<hbm>>)
    %add3A_929 = arith.constant 2 : i32
    %add3A_930 = arith.addi %mul3A_2, %add3A_929 : i32
    %dma_start3A_931 = arith.constant 2 : i32
    %dma_start3A_932 = arith.constant 0 : i32
    %dma_start3A_933 = tpu.memref_slice %arg7[%dma_start3A_931, %dma_start3A_932] : memref<4x16xf32, #tpu.memory_space<vmem>> -> memref<1x16xf32, #tpu.memory_space<vmem>>
    %dma_start3A_934 = tpu.memref_squeeze %dma_start3A_933 : memref<1x16xf32, #tpu.memory_space<vmem>> -> memref<16xf32, #tpu.memory_space<vmem>>
    %dma_start3A_935 = tpu.memref_slice %arg3[%add3A_930, %mul3A_662] : memref<128x32768xf32, #tpu.memory_space<hbm>> -> memref<1x16xf32, #tpu.memory_space<hbm>>
    %dma_start3A_936 = tpu.memref_squeeze %dma_start3A_935 : memref<1x16xf32, #tpu.memory_space<hbm>> -> memref<16xf32, #tpu.memory_space<hbm>>
    %dma_start3A_937 = tpu.memref_slice %arg3[%add3A_930, %mul3A_662] : memref<128x32768xf32, #tpu.memory_space<hbm>> -> memref<1x16xf32, #tpu.memory_space<hbm>>
    %dma_start3A_938 = tpu.memref_squeeze %dma_start3A_937 : memref<1x16xf32, #tpu.memory_space<hbm>> -> memref<16xf32, #tpu.memory_space<hbm>>
    %dma_start3A_939 = arith.constant 0 : i32
    %dma_start3A_940 = tpu.memref_slice %arg7[%dma_start3A_931, %dma_start3A_939] : memref<4x16xf32, #tpu.memory_space<vmem>> -> memref<1x16xf32, #tpu.memory_space<vmem>>
    %dma_start3A_941 = tpu.memref_squeeze %dma_start3A_940 : memref<1x16xf32, #tpu.memory_space<vmem>> -> memref<16xf32, #tpu.memory_space<vmem>>
    tpu.enqueue_dma source(%dma_start3A_941 : memref<16xf32, #tpu.memory_space<vmem>>) target(%dma_start3A_938 : memref<16xf32, #tpu.memory_space<hbm>>) target_semaphore(%arg10 : memref<!tpu.dma_semaphore, #tpu.memory_space<semaphore_mem>>)
    %dma_wait3A_942 = arith.constant 3 : i32
    %dma_wait3A_943 = arith.constant 0 : i32
    %dma_wait3A_944 = tpu.memref_slice %arg3[%add3A_48, %dma_wait3A_943] : memref<128x32768xf32, #tpu.memory_space<hbm>> -> memref<1x32768xf32, #tpu.memory_space<hbm>>
    %dma_wait3A_945 = tpu.memref_squeeze %dma_wait3A_944 : memref<1x32768xf32, #tpu.memory_space<hbm>> -> memref<32768xf32, #tpu.memory_space<hbm>>
    %dma_wait3A_946 = tpu.memref_slice %arg9[%dma_wait3A_942] : memref<4x!tpu.dma_semaphore, #tpu.memory_space<semaphore_mem>> -> memref<1x!tpu.dma_semaphore, #tpu.memory_space<semaphore_mem>>
    %dma_wait3A_947 = tpu.memref_squeeze %dma_wait3A_946 : memref<1x!tpu.dma_semaphore, #tpu.memory_space<semaphore_mem>> -> memref<!tpu.dma_semaphore, #tpu.memory_space<semaphore_mem>>
    %dma_wait3A_948 = arith.constant 0 : i32
    %dma_wait3A_949 = tpu.memref_slice %arg3[%add3A_48, %dma_wait3A_948] : memref<128x32768xf32, #tpu.memory_space<hbm>> -> memref<1x32768xf32, #tpu.memory_space<hbm>>
    %dma_wait3A_950 = tpu.memref_squeeze %dma_wait3A_949 : memref<1x32768xf32, #tpu.memory_space<hbm>> -> memref<32768xf32, #tpu.memory_space<hbm>>
    tpu.wait_dma2 semaphore(%dma_wait3A_947 : memref<!tpu.dma_semaphore, #tpu.memory_space<semaphore_mem>>) src(%arg6 : memref<32768xf32, #tpu.memory_space<vmem>>) dst(%dma_wait3A_950 : memref<32768xf32, #tpu.memory_space<hbm>>)
    %add3A_951 = arith.constant 3 : i32
    %add3A_952 = arith.addi %mul3A_2, %add3A_951 : i32
    %dma_start3A_953 = arith.constant 3 : i32
    %dma_start3A_954 = arith.constant 0 : i32
    %dma_start3A_955 = tpu.memref_slice %arg7[%dma_start3A_953, %dma_start3A_954] : memref<4x16xf32, #tpu.memory_space<vmem>> -> memref<1x16xf32, #tpu.memory_space<vmem>>
    %dma_start3A_956 = tpu.memref_squeeze %dma_start3A_955 : memref<1x16xf32, #tpu.memory_space<vmem>> -> memref<16xf32, #tpu.memory_space<vmem>>
    %dma_start3A_957 = tpu.memref_slice %arg3[%add3A_952, %mul3A_863] : memref<128x32768xf32, #tpu.memory_space<hbm>> -> memref<1x16xf32, #tpu.memory_space<hbm>>
    %dma_start3A_958 = tpu.memref_squeeze %dma_start3A_957 : memref<1x16xf32, #tpu.memory_space<hbm>> -> memref<16xf32, #tpu.memory_space<hbm>>
    %dma_start3A_959 = tpu.memref_slice %arg3[%add3A_952, %mul3A_863] : memref<128x32768xf32, #tpu.memory_space<hbm>> -> memref<1x16xf32, #tpu.memory_space<hbm>>
    %dma_start3A_960 = tpu.memref_squeeze %dma_start3A_959 : memref<1x16xf32, #tpu.memory_space<hbm>> -> memref<16xf32, #tpu.memory_space<hbm>>
    %dma_start3A_961 = arith.constant 0 : i32
    %dma_start3A_962 = tpu.memref_slice %arg7[%dma_start3A_953, %dma_start3A_961] : memref<4x16xf32, #tpu.memory_space<vmem>> -> memref<1x16xf32, #tpu.memory_space<vmem>>
    %dma_start3A_963 = tpu.memref_squeeze %dma_start3A_962 : memref<1x16xf32, #tpu.memory_space<vmem>> -> memref<16xf32, #tpu.memory_space<vmem>>
    tpu.enqueue_dma source(%dma_start3A_963 : memref<16xf32, #tpu.memory_space<vmem>>) target(%dma_start3A_960 : memref<16xf32, #tpu.memory_space<hbm>>) target_semaphore(%arg10 : memref<!tpu.dma_semaphore, #tpu.memory_space<semaphore_mem>>)
    %dma_wait3A_964 = arith.constant 0 : i32
    %dma_wait3A_965 = arith.constant 0 : i32
    %dma_wait3A_966 = tpu.memref_slice %arg7[%dma_wait3A_964, %dma_wait3A_965] : memref<4x16xf32, #tpu.memory_space<vmem>> -> memref<1x16xf32, #tpu.memory_space<vmem>>
    %dma_wait3A_967 = tpu.memref_squeeze %dma_wait3A_966 : memref<1x16xf32, #tpu.memory_space<vmem>> -> memref<16xf32, #tpu.memory_space<vmem>>
    %dma_wait3A_968 = tpu.memref_slice %arg3[%add3A_886, %mul3A_241] : memref<128x32768xf32, #tpu.memory_space<hbm>> -> memref<1x16xf32, #tpu.memory_space<hbm>>
    %dma_wait3A_969 = tpu.memref_squeeze %dma_wait3A_968 : memref<1x16xf32, #tpu.memory_space<hbm>> -> memref<16xf32, #tpu.memory_space<hbm>>
    %dma_wait3A_970 = tpu.memref_slice %arg3[%add3A_886, %mul3A_241] : memref<128x32768xf32, #tpu.memory_space<hbm>> -> memref<1x16xf32, #tpu.memory_space<hbm>>
    %dma_wait3A_971 = tpu.memref_squeeze %dma_wait3A_970 : memref<1x16xf32, #tpu.memory_space<hbm>> -> memref<16xf32, #tpu.memory_space<hbm>>
    %dma_wait3A_972 = arith.constant 0 : i32
    %dma_wait3A_973 = tpu.memref_slice %arg7[%dma_wait3A_964, %dma_wait3A_972] : memref<4x16xf32, #tpu.memory_space<vmem>> -> memref<1x16xf32, #tpu.memory_space<vmem>>
    %dma_wait3A_974 = tpu.memref_squeeze %dma_wait3A_973 : memref<1x16xf32, #tpu.memory_space<vmem>> -> memref<16xf32, #tpu.memory_space<vmem>>
    tpu.wait_dma2 semaphore(%arg10 : memref<!tpu.dma_semaphore, #tpu.memory_space<semaphore_mem>>) src(%dma_wait3A_974 : memref<16xf32, #tpu.memory_space<vmem>>) dst(%dma_wait3A_971 : memref<16xf32, #tpu.memory_space<hbm>>)
    %dma_wait3A_975 = arith.constant 1 : i32
    %dma_wait3A_976 = arith.constant 0 : i32
    %dma_wait3A_977 = tpu.memref_slice %arg7[%dma_wait3A_975, %dma_wait3A_976] : memref<4x16xf32, #tpu.memory_space<vmem>> -> memref<1x16xf32, #tpu.memory_space<vmem>>
    %dma_wait3A_978 = tpu.memref_squeeze %dma_wait3A_977 : memref<1x16xf32, #tpu.memory_space<vmem>> -> memref<16xf32, #tpu.memory_space<vmem>>
    %dma_wait3A_979 = tpu.memref_slice %arg3[%add3A_908, %mul3A_451] : memref<128x32768xf32, #tpu.memory_space<hbm>> -> memref<1x16xf32, #tpu.memory_space<hbm>>
    %dma_wait3A_980 = tpu.memref_squeeze %dma_wait3A_979 : memref<1x16xf32, #tpu.memory_space<hbm>> -> memref<16xf32, #tpu.memory_space<hbm>>
    %dma_wait3A_981 = tpu.memref_slice %arg3[%add3A_908, %mul3A_451] : memref<128x32768xf32, #tpu.memory_space<hbm>> -> memref<1x16xf32, #tpu.memory_space<hbm>>
    %dma_wait3A_982 = tpu.memref_squeeze %dma_wait3A_981 : memref<1x16xf32, #tpu.memory_space<hbm>> -> memref<16xf32, #tpu.memory_space<hbm>>
    %dma_wait3A_983 = arith.constant 0 : i32
    %dma_wait3A_984 = tpu.memref_slice %arg7[%dma_wait3A_975, %dma_wait3A_983] : memref<4x16xf32, #tpu.memory_space<vmem>> -> memref<1x16xf32, #tpu.memory_space<vmem>>
    %dma_wait3A_985 = tpu.memref_squeeze %dma_wait3A_984 : memref<1x16xf32, #tpu.memory_space<vmem>> -> memref<16xf32, #tpu.memory_space<vmem>>
    tpu.wait_dma2 semaphore(%arg10 : memref<!tpu.dma_semaphore, #tpu.memory_space<semaphore_mem>>) src(%dma_wait3A_985 : memref<16xf32, #tpu.memory_space<vmem>>) dst(%dma_wait3A_982 : memref<16xf32, #tpu.memory_space<hbm>>)
    %dma_wait3A_986 = arith.constant 2 : i32
    %dma_wait3A_987 = arith.constant 0 : i32
    %dma_wait3A_988 = tpu.memref_slice %arg7[%dma_wait3A_986, %dma_wait3A_987] : memref<4x16xf32, #tpu.memory_space<vmem>> -> memref<1x16xf32, #tpu.memory_space<vmem>>
    %dma_wait3A_989 = tpu.memref_squeeze %dma_wait3A_988 : memref<1x16xf32, #tpu.memory_space<vmem>> -> memref<16xf32, #tpu.memory_space<vmem>>
    %dma_wait3A_990 = tpu.memref_slice %arg3[%add3A_930, %mul3A_662] : memref<128x32768xf32, #tpu.memory_space<hbm>> -> memref<1x16xf32, #tpu.memory_space<hbm>>
    %dma_wait3A_991 = tpu.memref_squeeze %dma_wait3A_990 : memref<1x16xf32, #tpu.memory_space<hbm>> -> memref<16xf32, #tpu.memory_space<hbm>>
    %dma_wait3A_992 = tpu.memref_slice %arg3[%add3A_930, %mul3A_662] : memref<128x32768xf32, #tpu.memory_space<hbm>> -> memref<1x16xf32, #tpu.memory_space<hbm>>
    %dma_wait3A_993 = tpu.memref_squeeze %dma_wait3A_992 : memref<1x16xf32, #tpu.memory_space<hbm>> -> memref<16xf32, #tpu.memory_space<hbm>>
    %dma_wait3A_994 = arith.constant 0 : i32
    %dma_wait3A_995 = tpu.memref_slice %arg7[%dma_wait3A_986, %dma_wait3A_994] : memref<4x16xf32, #tpu.memory_space<vmem>> -> memref<1x16xf32, #tpu.memory_space<vmem>>
    %dma_wait3A_996 = tpu.memref_squeeze %dma_wait3A_995 : memref<1x16xf32, #tpu.memory_space<vmem>> -> memref<16xf32, #tpu.memory_space<vmem>>
    tpu.wait_dma2 semaphore(%arg10 : memref<!tpu.dma_semaphore, #tpu.memory_space<semaphore_mem>>) src(%dma_wait3A_996 : memref<16xf32, #tpu.memory_space<vmem>>) dst(%dma_wait3A_993 : memref<16xf32, #tpu.memory_space<hbm>>)
    %dma_wait3A_997 = arith.constant 3 : i32
    %dma_wait3A_998 = arith.constant 0 : i32
    %dma_wait3A_999 = tpu.memref_slice %arg7[%dma_wait3A_997, %dma_wait3A_998] : memref<4x16xf32, #tpu.memory_space<vmem>> -> memref<1x16xf32, #tpu.memory_space<vmem>>
    %dma_wait3A_1000 = tpu.memref_squeeze %dma_wait3A_999 : memref<1x16xf32, #tpu.memory_space<vmem>> -> memref<16xf32, #tpu.memory_space<vmem>>
    %dma_wait3A_1001 = tpu.memref_slice %arg3[%add3A_952, %mul3A_863] : memref<128x32768xf32, #tpu.memory_space<hbm>> -> memref<1x16xf32, #tpu.memory_space<hbm>>
    %dma_wait3A_1002 = tpu.memref_squeeze %dma_wait3A_1001 : memref<1x16xf32, #tpu.memory_space<hbm>> -> memref<16xf32, #tpu.memory_space<hbm>>
    %dma_wait3A_1003 = tpu.memref_slice %arg3[%add3A_952, %mul3A_863] : memref<128x32768xf32, #tpu.memory_space<hbm>> -> memref<1x16xf32, #tpu.memory_space<hbm>>
    %dma_wait3A_1004 = tpu.memref_squeeze %dma_wait3A_1003 : memref<1x16xf32, #tpu.memory_space<hbm>> -> memref<16xf32, #tpu.memory_space<hbm>>
    %dma_wait3A_1005 = arith.constant 0 : i32
    %dma_wait3A_1006 = tpu.memref_slice %arg7[%dma_wait3A_997, %dma_wait3A_1005] : memref<4x16xf32, #tpu.memory_space<vmem>> -> memref<1x16xf32, #tpu.memory_space<vmem>>
    %dma_wait3A_1007 = tpu.memref_squeeze %dma_wait3A_1006 : memref<1x16xf32, #tpu.memory_space<vmem>> -> memref<16xf32, #tpu.memory_space<vmem>>
    tpu.wait_dma2 semaphore(%arg10 : memref<!tpu.dma_semaphore, #tpu.memory_space<semaphore_mem>>) src(%dma_wait3A_1007 : memref<16xf32, #tpu.memory_space<vmem>>) dst(%dma_wait3A_1004 : memref<16xf32, #tpu.memory_space<hbm>>)
    return
  }
}

</mosaic_0001>

<sc_bundles>
// kernel: kernel.3.cloned.1.call-start
scs
__scs_entry_jumppad:
0x0: {  	(pc) =	sbr.rel $0x88, $3  }
0x1: {  	(tag) =	ssettag $0x0;
	lr =	simm.s32 $0x1  }
0x2: {  	[smem:$0x3FA0] =	sst lr;
	_ =	strace $0xD0000000  }
0x3: {  	_ = 	snop  }
0x4: {  	_ = 	snop  }
0x5: {  	_ = 	snop  }
0x6: {  	_ = 	snop  }
0x7: {  	_ = 	snop  }
__scs_overlays_trampoline_lowered:
0x8: {  	[smem:$0x3FAF] =	sst s0  }
0x9: {  	[smem:$0x3FB0] =	sst s1  }
0xa: {  	[smem:$0x3FB1] =	sst s2  }
0xb: {  	[smem:$0x3FB2] =	sst s3  }
0xc: {  	[smem:$0x3FB3] =	sst s4  }
0xd: {  	[smem:$0x3FB4] =	sst s5  }
0xe: {  	[smem:$0x3FB5] =	sst s6  }
0xf: {  	[smem:$0x3FB6] =	sst s7  }
0x10: {  	[smem:$0x3FB7] =	sst s8  }
0x11: {  	[smem:$0x3FB8] =	sst s9;
	s0 =	simm.s32 @!p0 $0x0  }
0x12: {  	s1 =	sld [smem:$0x3F9E];
	s0 =	simm.s32 @p0 $0x1  }
0x13: {  	[smem:$0x3FB9] =	sst s0;
	s0 =	simm.s32 @!p1 $0x0  }
0x14: {  	s2 =	sld [smem:$0x3F9D];
	s0 =	simm.s32 @p1 $0x1  }
0x15: {  	[smem:$0x3FBA] =	sst s0;
	s0 =	simm.s32 @!p2 $0x0  }
0x16: {  	s3 =	sld [smem:$0x3FDB];
	s0 =	simm.s32 @p2 $0x1  }
0x17: {  	s4 =	simm.s32 $0x1BF5;
	[smem:$0x3FBC] =	sst s0  }
0x18: {  	s0 =	sld [smem:$0x3F9F];
	_ =	swait.ge [sflag:s4], $0x0  }
0x19: {  	s7 =	sld [smem:$0x3FA0]  }
0x1a: {  	s8 =	sadd.s32 $0xFFFFE003, lr  }
0x1b: {  	s9 =	sadd.s32 $0xFFFFFEF7, lr;
	s5 =	simm.s32 $0xFFFFFFFF;
	p2 =	slt.u32 s8, $0xFFFFF086  }
0x1c: {  	p1 =	slt.u32 s9, $0xF7A;
	s5 =	simm.s32 @!p2 $0x0  }
0x1d: {  	s5 =	simm.s32 @p1 $0x1;
	p0 =	seq.s32 s7, s2  }
0x1e: {  	s7 =	smul.u32 @!p0 $0xF7A, s2;
	p2 =	seq.s32 @!p0 s5, $0x0  }
0x1f: {  	s9 =	smul.u32 $0xF7A, s1;
	s8 =	simm.s32 @!p0 $0x1BF5;
	p2 =	por !p2, p0  }
0x20: {  	[sflag:s8] =	ssyncset.s32 @!p0 $0xFFFFF086;
	s6 =	sadd.s32 @!p0 s3, s7;
	s7 =	simm.s32 @!p0 $0x108  }
0x21: {  	s3 =	sadd.s32 s3, s9;
	s6 =	sadd.s32 @!p0 $0x88, s6;
	s7 =	simm.s32 @p2 $0x1082  }
0x22: {  	[simem:s7], [sflag:s8] =	dma.local @!p0 [hbm:s6], $0xF7A  }
0x23: {  	s9 =	sor.u32 $0xD0000000, s2;
	s6 =	simm.s32 $0x108;
	_ =	swait.ge @!p0 [sflag:s8], $0x0  }
0x24: {  	s3 =	sadd.s32 $0x88, s3;
	s6 =	simm.s32 @!p1 $0x1082;
	[sflag:s4] =	ssyncset.s32 $0xFFFFF086  }
0x25: {  	[simem:s6], [sflag:s4] =	dma.local [hbm:s3], $0xF7A  }
0x26: {  	[smem:$0x3FA0] =	sst s1;
	(tag) =	ssettag s2;
	_ =	strace s9  }
0x27: {  	s1 =	sld [smem:$0x3FB0]  }
0x28: {  	s2 =	sld [smem:$0x3FB1]  }
0x29: {  	s4 =	sld [smem:$0x3FB3]  }
0x2a: {  	p0 =	seq.s32 s5, $0x0;
	s5 =	sld [smem:$0x3FB4]  }
0x2b: {  	s6 =	sld [smem:$0x3FB5]  }
0x2c: {  	s7 =	sld [smem:$0x3FB6]  }
0x2d: {  	s3 =	simm.s32 $0x108;
	s8 =	sld [smem:$0x3FB7]  }
0x2e: {  	s3 =	simm.s32 @!p0 $0x1082;
	s9 =	sld [smem:$0x3FB8]  }
0x2f: {  	lr =	sadd.s32 s0, s3;
	s0 =	sld [smem:$0x3FAF]  }
0x30: {  	s3 =	sld [smem:$0x3FB2]  }
0x31: {  	[smem:$0x3FBB] =	sst s10  }
0x32: {  	s10 =	sld [smem:$0x3FB9];
	_ =	sdelay $0x3  }
0x33: {  	p0 =	seq.s32 s10, $0x1;
	s10 =	sld [smem:$0x3FBB];
	_ =	sdelay $0x3  }
0x34: {  	[smem:$0x3FBB] =	sst s10  }
0x35: {  	s10 =	sld [smem:$0x3FBA];
	_ =	sdelay $0x3  }
0x36: {  	p1 =	seq.s32 s10, $0x1;
	s10 =	sld [smem:$0x3FBB];
	_ =	sdelay $0x3  }
0x37: {  	[smem:$0x3FBB] =	sst s10  }
0x38: {  	s10 =	sld [smem:$0x3FBC]  }
0x39: {  	_ = 	snop;
	(pc) =	sbr.ind lr, $3  }
0x3a: {  	_ = 	snop  }
0x3b: {  	_ = 	snop  }
0x3c: {  	p2 =	seq.s32 s10, $0x1;
	s10 =	sld [smem:$0x3FBB]  }
0x3d: {  	_ =	shalt  }
0x3e: {  	_ =	shalt  }
0x3f: {  	_ =	shalt  }
0x40: {  	_ =	shalt  }
0x41: {  	_ =	shalt  }
0x42: {  	_ =	shalt  }
0x43: {  	_ =	shalt  }
0x44: {  	_ =	shalt  }
0x45: {  	_ =	shalt  }
0x46: {  	_ =	shalt  }
0x47: {  	_ =	shalt  }
0x48: {  	_ =	shalt  }
0x49: {  	_ =	shalt  }
0x4a: {  	_ =	shalt  }
0x4b: {  	_ =	shalt  }
0x4c: {  	_ =	shalt  }
0x4d: {  	_ =	shalt  }
0x4e: {  	_ =	shalt  }
0x4f: {  	_ =	shalt  }
0x50: {  	_ =	shalt  }
0x51: {  	_ =	shalt  }
0x52: {  	_ =	shalt  }
0x53: {  	_ =	shalt  }
0x54: {  	_ =	shalt  }
0x55: {  	_ =	shalt  }
0x56: {  	_ =	shalt  }
0x57: {  	_ =	shalt  }
0x58: {  	_ =	shalt  }
0x59: {  	_ =	shalt  }
0x5a: {  	_ =	shalt  }
0x5b: {  	_ =	shalt  }
0x5c: {  	_ =	shalt  }
0x5d: {  	_ =	shalt  }
0x5e: {  	_ =	shalt  }
0x5f: {  	_ =	shalt  }
0x60: {  	_ =	shalt  }
0x61: {  	_ =	shalt  }
0x62: {  	_ =	shalt  }
0x63: {  	_ =	shalt  }
0x64: {  	_ =	shalt  }
0x65: {  	_ =	shalt  }
0x66: {  	_ =	shalt  }
0x67: {  	_ =	shalt  }
0x68: {  	_ =	shalt  }
0x69: {  	_ =	shalt  }
0x6a: {  	_ =	shalt  }
0x6b: {  	_ =	shalt  }
0x6c: {  	_ =	shalt  }
0x6d: {  	_ =	shalt  }
0x6e: {  	_ =	shalt  }
0x6f: {  	_ =	shalt  }
0x70: {  	_ =	shalt  }
0x71: {  	_ =	shalt  }
0x72: {  	_ =	shalt  }
0x73: {  	_ =	shalt  }
0x74: {  	_ =	shalt  }
0x75: {  	_ =	shalt  }
0x76: {  	_ =	shalt  }
0x77: {  	_ =	shalt  }
0x78: {  	_ =	shalt  }
0x79: {  	_ =	shalt  }
0x7a: {  	_ =	shalt  }
0x7b: {  	_ =	shalt  }
0x7c: {  	_ =	shalt  }
0x7d: {  	_ =	shalt  }
0x7e: {  	_ =	shalt  }
0x7f: {  	_ =	shalt  }
0x80: {  	_ =	shalt  }
0x81: {  	_ =	shalt  }
0x82: {  	_ =	shalt  }
0x83: {  	_ =	shalt  }
0x84: {  	_ =	shalt  }
0x85: {  	_ =	shalt  }
0x86: {  	_ =	shalt  }
0x87: {  	_ =	shalt  }
.Lfunc_end0:
.L_simem_size_0:
called_computation_lowered:
.L_overlay_start_0:
0x88: {  	s2 =	sld [smem:$0x3FD9]  }
0x89: {  	s3 =	sld [smem:$0x3FFE];
	_ =	sdelay $0x1  }
0x8a: {  	s1 =	srdreg.scid  }
0x8b: {  	s0 =	sand.u32 $0x1, s1  }
0x8c: {  	s18 =	sshll.u32 s0, $0xA;
	s2 =	sadd.s32 s3, s2  }
0x8d: {  	s2 =	sadd.s32 s2, s18  }
0x8e: {  	[smem:$0x3FC7] =	sst s2  }
0x8f: {  	_ = 	snop  }
0x90: {  	s2 =	sld [smem:$0x3FC9]  }
0x91: {  	s19 =	sld [smem:$0x3FD0];
	(tm) =	ssettm $0x1  }
0x92: {  	s4 =	sld [smem:$0x3FFB];
	_ =	sdelay $0x3  }
0x93: {  	_ =	strace s4  }
0x94: {  	s4 =	sld [smem:$0x3FFC];
	_ =	sdelay $0x3  }
0x95: {  	_ =	strace s4  }
0x96: {  	s4 =	sld [smem:$0x3FFD];
	_ =	sdelay $0x3  }
0x97: {  	_ =	strace s4  }
0x98: {  	_ =	strace $0x8FFFFFFF  }
0x99: {  	s20 =	sld [smem:$0x3FDB];
	_ =	sdelay $0x1  }
0x9a: {  	s5 =	simm.s32 $_scs_section_size  }
0x9b: {  	s6 =	simm.s32 $_size__tile_overlayer_lowered;
	s7 =	simm.s32 $_tile_overlayer_lowered  }
0x9c: {  	s23 =	simm.s32 $0x1BFF;
	s22 =	sshll.u32 s7, $0x1;
	s4 =	sadd.s32 s5, s20  }
0x9d: {  	s8 =	simm.s32 $0x0;
	s21 =	sshll.u32 s6, $0x1;
	s6 =	sadd.s32 s22, s4  }
0x9e: {  	[timem:s8], [sflag:s23] =	dma.local [hbm:s6], s21  }
0x9f: {  	_ =	swait.ge [sflag:s23], s21  }
0xa0: {  	s5 =	ssub.s32 $0x0, s21;
	[sflag:s23] =	ssyncset.done $0x0  }
0xa1: {  	[sflag:s23] =	ssyncadd.s32 s5;
	_ =	sdelay $0x1  }
0xa2: {  	s24 =	simm.s32 $0x1B8B  }
0xa3: {  	_ =	swait.ge [sflag:s24], $0x1  }
0xa4: {  	[sflag:s24] =	ssyncset.done $0x0  }
0xa5: {  	s25 =	simm.s32 $0x1B8E;
	[sflag:s24] =	ssyncadd.s32 $0xFFFFFFFF  }
0xa6: {  	s26 =	simm.s32 $execute0_lowered;
	[smem:$0x3FD2] =	sst s25  }
0xa7: {  	s5 =	sshll.u32 s26, $0x1;
	_ =	strace $0x80000046;
	[dreg:$0x1] =	wrdreg $0xFFFFFFFF  }
0xa8: {  	s28 =	simm.s32 $_size_execute0_lowered;
	s4 =	sadd.s32 s4, s5;
	[dreg:$0x0] =	wrdreg $0x0  }
0xa9: {  	s5 =	sshll.u32 s28, $0x1;
	[dreg:$0x2] =	wrdreg s4  }
0xaa: {  	[dreg:$0x3] =	wrdreg s5  }
0xab: {  	[dreg:$0x4] =	wrdreg $0xC0  }
0xac: {  	_ =	task [dreg:s8], $0x5FFFF  }
0xad: {  	[dreg:$0x1] =	wrdreg $0xFFFFFFFF  }
0xae: {  	[dreg:$0x0] =	wrdreg $0x60  }
0xaf: {  	[dreg:$0x2] =	wrdreg s2  }
0xb0: {  	[dreg:$0x3] =	wrdreg s19  }
0xb1: {  	[dreg:$0x4] =	wrdreg $0x9  }
0xb2: {  	_ =	task.clear_ibuf [dreg:s8], $0x5FFFF;
	_ =	strace $0x90000046  }
0xb3: {  	s29 =	simm.s32 $0x9;
	_ =	strace $0x80000048  }
0xb4: {  	_ =	swait.ge [sflag:s29], $0x1  }
0xb5: {  	[sflag:s29] =	ssyncadd.s32 $0xFFFFFFFF  }
0xb6: {  	_ =	strace $0x90000048  }
0xb7: {  	_ =	sfence  }
0xb8: {  	s30 =	sld [smem:$0x0];
	_ =	sdelay $0x2  }
0xb9: {  	s31 =	sshll.u32 s1, $0xD;
	s1 =	sshrl.u32 s1, $0x2  }
0xba: {  	s3 =	sand.u32 $0x4000, s31;
	s1 =	sadd.s32 s1, s30  }
0xbb: {  	s0 =	sor.u32 s3, s0;
	s1 =	sshll.u32 s1, $0x11  }
0xbc: {  	s0 =	sor.u32 s1, s0  }
0xbd: {  	s0 =	sadd.s32 $0x8F2B, s0  }
0xbe: {  	[sflag:s0] =	ssyncadd.remote.s32 $0x1  }
0xbf: {  	_ =	sfence.sel $0xFFFF  }
0xc0: {  	[dreg:$0x0] =	wrdreg $0xFFFFFFFF;
	(pc) =	sbr.abs _section_cstart, $3  }
0xc1: {  	[dreg:$0x1] =	wrdreg $0xFFFFFFFF  }
0xc2: {  	_ =	task.clear_ibuf [dreg:s8], $0x2FFFF;
	_ =	strace $0x9FFFFFFF  }
0xc3: {  	(tm) =	ssettm $0x7FFFFFFF  }
tec
execute0_lowered:
.L_overlay_start_1:
0x0: {  	(tag) =	ssettag $0x1  }
0x1: {  	s0 =	rddreg [dreg:$0x0]  }
0x2: {  	s2 =	rddreg [dreg:$0x1];
	s1 =	srdreg.scid  }
0x3: {  	s3 =	simm.s32 $0x0;
	s4 =	stileid.u32;
	s18 =	simm.s32 $0x80  }
0x4: {  	s19 =	simm.s32 $0x400;
	s20 =	simm.s32 $0x10000;
	s21 =	simm.s32 $0x1  }
0x5: {  	s23 =	simm.s32 $0x2;
	s28 =	simm.s32 $0x4;
	s30 =	simm.s32 $0x5  }
0x6: {  	s1 =	sand.u32 $0x1, s1;
	s4 =	sshll.u32 s4, $0x12;
	[smem:$0x7FF] =	sst s3  }
0x7: {  	s6 =	ssub.s32 $0x2, s1;
	s5 =	sshll.u32 s1, $0x9;
	_ =	strace $0x80000047  }
0x8: {  	s24 =	sshrl.u32 s6, $0x1;
	s7 =	sor.u32 s5, s4;
	s8 =	sor.u32 $0x80, s5  }
0x9: {  	s9 =	sor.u32 $0x100, s5;
	s10 =	sor.u32 $0x180, s5;
	s1 =	ssub.s32 s6, s24  }
0xa: {  	s25 =	sshrl.u32 s7, $0x3;
	s26 =	sor.u32 s4, s8;
	s29 =	sor.u32 s4, s9  }
0xb: {  	s11 =	sor.u32 s4, s10;
	s7 =	sadd.s32 s0, s25;
	s6 =	sadd.s32 s2, s25  }
0xc: {  	s11 =	sshrl.u32 s11, $0x3;
	s17 =	smax.u32 s1, $0x1;
	[dreg:$0x3] =	wrdreg s7  }
0xd: {  	s25 =	simm.s32 $0x3;
	s1 =	simm.s32 $0x0;
	[dreg:$0x4] =	wrdreg s6  }
0xe: {  	v0 =	vlaneseq.u32;
	s6 =	sshrl.u32 s26, $0x3;
	s7 =	sshrl.u32 s29, $0x3;
	s13 =	sadd.s32 s2, s11  }
0xf: {  	v1 =	vimm.f32 $0.0e+00;
	v2 =	vor.u32 $0x10, v0;
	s16 =	sadd.s32 s0, s11;
	s12 =	sadd.s32 s2, s6;
	s31 =	sadd.s32 s2, s7  }
0x10: {  	v3 =	vor.u32 $0x20, v0;
	v4 =	vor.u32 $0x30, v0;
	v5 =	vor.u32 $0x40, v0;
	s14 =	sadd.s32 s0, s6;
	s15 =	sadd.s32 s0, s7;
	[dreg:$0x5] =	wrdreg s12  }
0x11: {  	v6 =	vor.u32 $0x50, v0;
	v7 =	vor.u32 $0x60, v0;
	v8 =	vor.u32 $0x70, v0;
	s0 =	simm.s32 $0x6;
	[dreg:$0x6] =	wrdreg s31;
	s12 =	simm.s32 $0x8000  }
.LBB2_1:
0x12: {  	s6 =	rddreg [dreg:$0x3]  }
0x13: {  	[tilespmem:s3], [sflag:$0x1] =	stream.strided.gather [hbm4b:s6+s18], $0x8000, s19, s18, $0x38;
	[tilespmem:$0x18200] =	vst v63  }
0x14: {  	s7 =	simm.s32 $0x200;
	s6 =	simm.s32 $0x0  }
.LBB2_2:
0x15: {  	p0 =	sne.s32 s7, $0x1FE00;
	[tilespmem:s6+$0x10070] =	vst v1  }
0x16: {  	[tilespmem:s6+$0x10000] =	vst v1  }
0x17: {  	[tilespmem:s6+$0x10010] =	vst v1  }
.Ltmp0:
0x18: {  	[tilespmem:s6+$0x10020] =	vst v1;
	(pc) =	sbr.rel @p0 .LBB2_2-.Ltmp0, $4  }
0x19: {  	[tilespmem:s6+$0x10030] =	vst v1  }
0x1a: {  	[tilespmem:s6+$0x10040] =	vst v1  }
0x1b: {  	[tilespmem:s6+$0x10050] =	vst v1  }
0x1c: {  	[tilespmem:s6+$0x10060] =	vst v1;
	s6 =	sshra.s32 s7, $0x2;
	s7 =	sadd.s32 $0x200, s7  }
0x1d: {  	[tilespmem:s6+$0x10070] =	vst v1  }
0x1e: {  	[tilespmem:s6+$0x10000] =	vst v1  }
0x1f: {  	[tilespmem:s6+$0x10010] =	vst v1  }
0x20: {  	[tilespmem:s6+$0x10020] =	vst v1  }
0x21: {  	[tilespmem:s6+$0x10030] =	vst v1  }
0x22: {  	[tilespmem:s6+$0x10040] =	vst v1  }
0x23: {  	[tilespmem:s6+$0x10050] =	vst v1  }
0x24: {  	[tilespmem:s6+$0x10060] =	vst v1;
	s24 =	rddreg [dreg:$0x4]  }
0x25: {  	[hbm4b:s24+s18] =	stream.strided.scatter [tilespmem:s20], [sflag:$0x2], $0x8000, s19, s18, $0x38;
	[tilespmem:$0x18200] =	vst v63  }
0x26: {  	s26 =	rddreg [dreg:$0x5]  }
0x27: {  	[hbm4b:s26+s18] =	stream.strided.scatter [tilespmem:s20], [sflag:$0x3], $0x8000, s19, s18, $0x38;
	[tilespmem:$0x18200] =	vst v63  }
0x28: {  	s29 =	rddreg [dreg:$0x6]  }
0x29: {  	[hbm4b:s29+s18] =	stream.strided.scatter [tilespmem:s20], [sflag:$0x4], $0x8000, s19, s18, $0x38;
	[tilespmem:$0x18200] =	vst v63  }
0x2a: {  	_ = 	snop  }
0x2b: {  	[hbm4b:s13+s18] =	stream.strided.scatter [tilespmem:s20], [sflag:$0x5], $0x8000, s19, s18, $0x38;
	[tilespmem:$0x18200] =	vst v63  }
0x2c: {  	_ =	swait.ge [sflag:s21], $0x8000  }
0x2d: {  	[sflag:s21] =	ssyncset.done $0x0  }
0x2e: {  	s31 =	simm.s32 $0x0;
	[sflag:s21] =	ssyncadd.s32 $0xFFFF8000  }
0x2f: {  	[tilespmem:s12], [sflag:$0x1] =	stream.strided.gather [hbm4b:s14+s18], $0x8000, s19, s18, $0x38;
	[tilespmem:$0x18200] =	vst v63  }
0x30: {  	v9 =	vld [tilespmem:s31+$0x0]  }
0x31: {  	v10 =	vld [tilespmem:s31+$0x10]  }
0x32: {  	v11 =	vld [tilespmem:s31+$0x20]  }
0x33: {  	v12 =	vld [tilespmem:s31+$0x30]  }
0x34: {  	v13 =	vld [tilespmem:s31+$0x40]  }
0x35: {  	v15 =	vld [tilespmem:s31+$0x50]  }
0x36: {  	v19 =	vld [tilespmem:s31+$0x60];
	_ =	sdelay $0x1  }
0x37: {  	v16 =	vimm.f32 $-Inf;
	v23 =	vimm.s32 $0x0;
	v27 =	vld [tilespmem:s31+$0x70]  }
0x38: {  	s6 =	simm.s32 $0x80;
	v32 =	vimm.s32 $0x0;
	vm0 =	vgt.f32 v9, v16;
	vm1 =	vgt.f32 v10, v16  }
0x39: {  	v26 =	vld [tilespmem:s6+$0x0];
	vm2 =	vgt.f32 v11, v16;
	vm3 =	vgt.f32 v12, v16;
	vm4 =	vgt.f32 v13, v16  }
0x3a: {  	v28 =	vld [tilespmem:s6+$0x10];
	vm5 =	vgt.f32 v15, v16;
	vm6 =	vgt.f32 v19, v16;
	v24 =	vsel vm0, v9, v16  }
0x3b: {  	v22 =	vld [tilespmem:s6+$0x20];
	v29 =	vsel vm0, v23, v23;
	v25 =	vsel vm1, v10, v16;
	v21 =	vsel vm2, v11, v16  }
0x3c: {  	v20 =	vld [tilespmem:s6+$0x30];
	v17 =	vsel vm3, v12, v16;
	v14 =	vsel vm4, v13, v16;
	vm0 =	vgt.f32 v27, v16  }
0x3d: {  	v18 =	vld [tilespmem:s6+$0x40];
	v11 =	vsel vm5, v15, v16;
	v10 =	vsel vm6, v19, v16;
	v31 =	vsel vm1, v23, v23  }
0x3e: {  	v15 =	vld [tilespmem:s6+$0x50];
	v30 =	vsel vm2, v23, v23;
	v19 =	vsel vm4, v23, v23;
	v12 =	vsel vm6, v23, v23  }
0x3f: {  	s7 =	simm.s32 $0x400;
	v13 =	vld [tilespmem:s6+$0x60];
	v9 =	vsel vm0, v27, v16;
	v27 =	vsel vm3, v23, v23;
	v16 =	vsel vm5, v23, v23  }
.LBB2_4:
0x40: {  	p0 =	sne.s32 s7, $0x1FE00;
	v33 =	vld [tilespmem:s6+$0x70];
	v32 =	vsel vm0, v23, v32  }
0x41: {  	s6 =	sshra.s32 s7, $0x2;
	vm0 =	vgt.f32 v26, v24;
	vm1 =	vgt.f32 v28, v25;
	v23 =	vadd.s32 $0x1, v23  }
0x42: {  	v24 =	vsel vm0, v26, v24;
	v29 =	vsel vm0, v23, v29;
	v25 =	vsel vm1, v28, v25;
	v26 =	vld [tilespmem:s6+$0x0]  }
0x43: {  	vm2 =	vgt.f32 v22, v21;
	vm3 =	vgt.f32 v20, v17;
	vm4 =	vgt.f32 v18, v14;
	v28 =	vld [tilespmem:s6+$0x10]  }
.Ltmp1:
0x44: {  	v21 =	vsel vm2, v22, v21;
	v17 =	vsel vm3, v20, v17;
	v14 =	vsel vm4, v18, v14;
	v22 =	vld [tilespmem:s6+$0x20];
	(pc) =	sbr.rel @p0 .LBB2_4-.Ltmp1, $4  }
0x45: {  	vm5 =	vgt.f32 v15, v11;
	vm6 =	vgt.f32 v13, v10;
	v20 =	vld [tilespmem:s6+$0x30];
	vm0 =	vgt.f32 v33, v9  }
0x46: {  	v11 =	vsel vm5, v15, v11;
	v10 =	vsel vm6, v13, v10;
	v18 =	vld [tilespmem:s6+$0x40];
	v9 =	vsel vm0, v33, v9  }
0x47: {  	v31 =	vsel vm1, v23, v31;
	v30 =	vsel vm2, v23, v30;
	v27 =	vsel vm3, v23, v27;
	v15 =	vld [tilespmem:s6+$0x50]  }
0x48: {  	s7 =	sadd.s32 $0x200, s7;
	v19 =	vsel vm4, v23, v19;
	v16 =	vsel vm5, v23, v16;
	v12 =	vsel vm6, v23, v12;
	v13 =	vld [tilespmem:s6+$0x60]  }
0x49: {  	vm1 =	vgt.f32 v26, v24;
	vm2 =	vgt.f32 v28, v25;
	v33 =	vadd.s32 $0x1, v23  }
0x4a: {  	v23 =	vsel vm0, v23, v32;
	v29 =	vsel vm1, v33, v29;
	v31 =	vsel vm2, v33, v31  }
0x4b: {  	v24 =	vsel vm1, v26, v24;
	v26 =	vshll.u32 v29, $0x7;
	v29 =	vshll.u32 v31, $0x7  }
0x4c: {  	v25 =	vsel vm2, v28, v25;
	v26 =	vor.u32 v0, v26;
	v28 =	vor.u32 v2, v29  }
0x4d: {  	vm0 =	vgt.f32 v22, v21;
	vm1 =	veq.f32 v25, v24;
	vm2 =	vlt.s32 v28, v26  }
0x4e: {  	vm3 =	vgt.f32 v25, v24;
	v29 =	vsel vm0, v33, v30;
	vm1 =	vmand vm1, vm2  }
0x4f: {  	v21 =	vsel vm0, v22, v21;
	v22 =	vshll.u32 v29, $0x7;
	vm0 =	vmor vm3, vm1  }
0x50: {  	v22 =	vor.u32 v3, v22;
	v24 =	vsel vm0, v25, v24;
	v25 =	vsel vm0, v28, v26  }
0x51: {  	vm0 =	vgt.f32 v20, v17;
	vm1 =	veq.f32 v21, v24;
	vm2 =	vlt.s32 v22, v25  }
0x52: {  	v26 =	vsel vm0, v33, v27;
	vm3 =	vgt.f32 v21, v24;
	vm1 =	vmand vm1, vm2  }
0x53: {  	v17 =	vsel vm0, v20, v17;
	v20 =	vshll.u32 v26, $0x7;
	vm0 =	vmor vm3, vm1  }
0x54: {  	v20 =	vor.u32 v4, v20;
	v21 =	vsel vm0, v21, v24;
	v22 =	vsel vm0, v22, v25  }
0x55: {  	vm0 =	vgt.f32 v18, v14;
	vm1 =	veq.f32 v17, v21;
	vm2 =	vlt.s32 v20, v22  }
0x56: {  	v19 =	vsel vm0, v33, v19;
	vm3 =	vgt.f32 v17, v21;
	vm1 =	vmand vm1, vm2  }
0x57: {  	v14 =	vsel vm0, v18, v14;
	v18 =	vshll.u32 v19, $0x7;
	vm0 =	vmor vm3, vm1  }
0x58: {  	v18 =	vor.u32 v5, v18;
	v17 =	vsel vm0, v17, v21;
	v19 =	vsel vm0, v20, v22  }
0x59: {  	vm0 =	vgt.f32 v15, v11;
	vm1 =	veq.f32 v14, v17;
	vm2 =	vlt.s32 v18, v19  }
0x5a: {  	v16 =	vsel vm0, v33, v16;
	vm3 =	vgt.f32 v14, v17;
	vm1 =	vmand vm1, vm2  }
0x5b: {  	v11 =	vsel vm0, v15, v11;
	v15 =	vshll.u32 v16, $0x7;
	vm0 =	vmor vm3, vm1  }
0x5c: {  	v16 =	vld [tilespmem:s6+$0x70];
	v15 =	vor.u32 v6, v15;
	v14 =	vsel vm0, v14, v17;
	v17 =	vsel vm0, v18, v19  }
0x5d: {  	vm0 =	vgt.f32 v13, v10;
	vm1 =	veq.f32 v11, v14;
	vm2 =	vlt.s32 v15, v17  }
0x5e: {  	v12 =	vsel vm0, v33, v12;
	vm3 =	vgt.f32 v11, v14;
	vm1 =	vmand vm1, vm2  }
0x5f: {  	v10 =	vsel vm0, v13, v10;
	v12 =	vshll.u32 v12, $0x7;
	vm0 =	vmor vm3, vm1  }
0x60: {  	v12 =	vor.u32 v7, v12;
	v11 =	vsel vm0, v11, v14;
	v13 =	vsel vm0, v15, v17  }
0x61: {  	vm0 =	vgt.f32 v16, v9;
	vm1 =	veq.f32 v10, v11;
	vm2 =	vlt.s32 v12, v13  }
0x62: {  	v14 =	vsel vm0, v33, v23;
	vm3 =	vgt.f32 v10, v11;
	vm1 =	vmand vm1, vm2  }
0x63: {  	v9 =	vsel vm0, v16, v9;
	v14 =	vshll.u32 v14, $0x7;
	vm0 =	vmor vm3, vm1  }
0x64: {  	v10 =	vsel vm0, v10, v11;
	v11 =	vsel vm0, v12, v13;
	v12 =	vor.u32 v8, v14  }
0x65: {  	vm0 =	veq.f32 v9, v10;
	vm1 =	vlt.s32 v12, v11  }
0x66: {  	vm2 =	vgt.f32 v9, v10;
	vm0 =	vmand vm0, vm1  }
0x67: {  	vm0 =	vmor vm2, vm0  }
0x68: {  	v9 =	vsel vm0, v9, v10  }
0x69: {  	(xrf0) =	vmax.scan.msk.f32 $0xffff, v9;
	_ =	sdelay $0x5  }
0x6a: {  	v10, _, _ =	vpop (xrf0)  }
0x6b: {  	v10 =	vbroadcast v10, $0xF  }
0x6c: {  	v11 =	vsel vm0, v12, v11  }
0x6d: {  	vm0 =	veq.f32 v9, v10;
	v9 =	vxor.u32 $0x80000000, v11  }
0x6e: {  	v9 =	vnsel vm0, $0xC0000000, v9  }
0x6f: {  	(xrf0) =	vmin.scan.msk.u32 $0xffff, v9;
	_ =	sdelay $0x5  }
0x70: {  	v9, _, _ =	vpop (xrf0)  }
0x71: {  	(v2sf) =	vpush v9, $0xF;
	_ =	sdelay $0xe  }
0x72: {  	s31 =	spop (v2sf)  }
0x73: {  	s7 =	sxor.u32 $0x80000000, s31  }
0x74: {  	p1 =	sgt.s32 s31, $0xFFFFFFFF;
	s6 =	sand.u32 $0xF, s31;
	p0 =	slt.s32 s7, $0x1  }
0x75: {  	s11 =	sshra.s32 s7, $0x1F;
	p6 =	sne.s32 s6, $0x0;
	p0 =	por p1, p0  }
0x76: {  	s11 =	sshrl.u32 s11, $0x1C;
	p0 =	por !p6, !p0  }
0x77: {  	s6 =	sadd.s32 s11, s7;
	s11 =	simm.s32 $0x1;
	p0 =	por !p0, !p0  }
0x78: {  	s6 =	sshra.s32 s6, $0x4;
	s11 =	simm.s32 @!p0 $0x0  }
0x79: {  	s26 =	ssub.s32 s6, s11  }
0x7a: {  	s24 =	sshll.u32 s26, $0x4  }
0x7b: {  	s22 =	ssub.s32 s7, s24  }
0x7c: {  	v9 =	vmov s22  }
0x7d: {  	vm0 =	veq.s32 v9, v0  }
0x7e: {  	v9 =	vsel vm0, $0x3F800000, v1  }
0x7f: {  	[tilespmem:$0x18000] =	vst v9  }
0x80: {  	_ =	swait.ge [sflag:s21], $0x8000  }
0x81: {  	[sflag:s21] =	ssyncset.done $0x0  }
0x82: {  	s29 =	simm.s32 $0x0;
	s31 =	simm.s32 $0x0;
	[sflag:s21] =	ssyncadd.s32 $0xFFFF8000  }
0x83: {  	[tilespmem:s29], [sflag:$0x1] =	stream.strided.gather [hbm4b:s15+s18], $0x8000, s19, s18, $0x38;
	[tilespmem:$0x18200] =	vst v63  }
0x84: {  	v9 =	vld [tilespmem:s31+$0x8000]  }
0x85: {  	v10 =	vld [tilespmem:s31+$0x8010]  }
0x86: {  	v11 =	vld [tilespmem:s31+$0x8020]  }
0x87: {  	v12 =	vld [tilespmem:s31+$0x8030]  }
0x88: {  	v13 =	vld [tilespmem:s31+$0x8040]  }
0x89: {  	v15 =	vld [tilespmem:s31+$0x8050]  }
0x8a: {  	v19 =	vld [tilespmem:s31+$0x8060];
	_ =	sdelay $0x1  }
0x8b: {  	v32 =	vimm.s32 $0x0;
	v16 =	vimm.f32 $-Inf;
	v27 =	vld [tilespmem:s31+$0x8070]  }
0x8c: {  	v23 =	vimm.s32 $0x0;
	s6 =	simm.s32 $0x80;
	vm0 =	vgt.f32 v9, v16;
	vm1 =	vgt.f32 v10, v16  }
0x8d: {  	v26 =	vld [tilespmem:s6+$0x8000];
	vm2 =	vgt.f32 v11, v16;
	vm3 =	vgt.f32 v12, v16;
	vm4 =	vgt.f32 v13, v16  }
0x8e: {  	v28 =	vld [tilespmem:s6+$0x8010];
	vm5 =	vgt.f32 v15, v16;
	vm6 =	vgt.f32 v19, v16;
	v24 =	vsel vm0, v9, v16  }
0x8f: {  	v22 =	vld [tilespmem:s6+$0x8020];
	v29 =	vsel vm0, v23, v23;
	v25 =	vsel vm1, v10, v16;
	v21 =	vsel vm2, v11, v16  }
0x90: {  	v20 =	vld [tilespmem:s6+$0x8030];
	v17 =	vsel vm3, v12, v16;
	v14 =	vsel vm4, v13, v16;
	vm0 =	vgt.f32 v27, v16  }
0x91: {  	v18 =	vld [tilespmem:s6+$0x8040];
	v11 =	vsel vm5, v15, v16;
	v10 =	vsel vm6, v19, v16;
	v31 =	vsel vm1, v23, v23  }
0x92: {  	v15 =	vld [tilespmem:s6+$0x8050];
	v30 =	vsel vm2, v23, v23;
	v19 =	vsel vm4, v23, v23;
	v12 =	vsel vm6, v23, v23  }
0x93: {  	s7 =	simm.s32 $0x400;
	v13 =	vld [tilespmem:s6+$0x8060];
	v9 =	vsel vm0, v27, v16;
	v27 =	vsel vm3, v23, v23;
	v16 =	vsel vm5, v23, v23  }
.LBB2_6:
0x94: {  	p0 =	sne.s32 s7, $0x1FE00;
	v33 =	vld [tilespmem:s6+$0x8070];
	v32 =	vsel vm0, v23, v32  }
0x95: {  	s6 =	sshra.s32 s7, $0x2;
	vm0 =	vgt.f32 v26, v24;
	vm1 =	vgt.f32 v28, v25;
	v23 =	vadd.s32 $0x1, v23  }
0x96: {  	v24 =	vsel vm0, v26, v24;
	v29 =	vsel vm0, v23, v29;
	v25 =	vsel vm1, v28, v25;
	v26 =	vld [tilespmem:s6+$0x8000]  }
0x97: {  	vm2 =	vgt.f32 v22, v21;
	vm3 =	vgt.f32 v20, v17;
	vm4 =	vgt.f32 v18, v14;
	v28 =	vld [tilespmem:s6+$0x8010]  }
.Ltmp2:
0x98: {  	v21 =	vsel vm2, v22, v21;
	v17 =	vsel vm3, v20, v17;
	v14 =	vsel vm4, v18, v14;
	v22 =	vld [tilespmem:s6+$0x8020];
	(pc) =	sbr.rel @p0 .LBB2_6-.Ltmp2, $4  }
0x99: {  	vm5 =	vgt.f32 v15, v11;
	vm6 =	vgt.f32 v13, v10;
	v20 =	vld [tilespmem:s6+$0x8030];
	vm0 =	vgt.f32 v33, v9  }
0x9a: {  	v11 =	vsel vm5, v15, v11;
	v10 =	vsel vm6, v13, v10;
	v18 =	vld [tilespmem:s6+$0x8040];
	v9 =	vsel vm0, v33, v9  }
0x9b: {  	v31 =	vsel vm1, v23, v31;
	v30 =	vsel vm2, v23, v30;
	v27 =	vsel vm3, v23, v27;
	v15 =	vld [tilespmem:s6+$0x8050]  }
0x9c: {  	s7 =	sadd.s32 $0x200, s7;
	v19 =	vsel vm4, v23, v19;
	v16 =	vsel vm5, v23, v16;
	v12 =	vsel vm6, v23, v12;
	v13 =	vld [tilespmem:s6+$0x8060]  }
0x9d: {  	vm1 =	vgt.f32 v26, v24;
	vm2 =	vgt.f32 v28, v25;
	v33 =	vadd.s32 $0x1, v23  }
0x9e: {  	v23 =	vsel vm0, v23, v32;
	v29 =	vsel vm1, v33, v29;
	v31 =	vsel vm2, v33, v31  }
0x9f: {  	v24 =	vsel vm1, v26, v24;
	v26 =	vshll.u32 v29, $0x7;
	v29 =	vshll.u32 v31, $0x7  }
0xa0: {  	v25 =	vsel vm2, v28, v25;
	v26 =	vor.u32 v0, v26;
	v28 =	vor.u32 v2, v29  }
0xa1: {  	vm0 =	vgt.f32 v22, v21;
	vm1 =	veq.f32 v25, v24;
	vm2 =	vlt.s32 v28, v26  }
0xa2: {  	vm3 =	vgt.f32 v25, v24;
	v29 =	vsel vm0, v33, v30;
	vm1 =	vmand vm1, vm2  }
0xa3: {  	v21 =	vsel vm0, v22, v21;
	v22 =	vshll.u32 v29, $0x7;
	vm0 =	vmor vm3, vm1  }
0xa4: {  	v22 =	vor.u32 v3, v22;
	v24 =	vsel vm0, v25, v24;
	v25 =	vsel vm0, v28, v26  }
0xa5: {  	vm0 =	vgt.f32 v20, v17;
	vm1 =	veq.f32 v21, v24;
	vm2 =	vlt.s32 v22, v25  }
0xa6: {  	v26 =	vsel vm0, v33, v27;
	vm3 =	vgt.f32 v21, v24;
	vm1 =	vmand vm1, vm2  }
0xa7: {  	v17 =	vsel vm0, v20, v17;
	v20 =	vshll.u32 v26, $0x7;
	vm0 =	vmor vm3, vm1  }
0xa8: {  	v20 =	vor.u32 v4, v20;
	v21 =	vsel vm0, v21, v24;
	v22 =	vsel vm0, v22, v25  }
0xa9: {  	vm0 =	vgt.f32 v18, v14;
	vm1 =	veq.f32 v17, v21;
	vm2 =	vlt.s32 v20, v22  }
0xaa: {  	v19 =	vsel vm0, v33, v19;
	vm3 =	vgt.f32 v17, v21;
	vm1 =	vmand vm1, vm2  }
0xab: {  	v14 =	vsel vm0, v18, v14;
	v18 =	vshll.u32 v19, $0x7;
	vm0 =	vmor vm3, vm1  }
0xac: {  	v18 =	vor.u32 v5, v18;
	v17 =	vsel vm0, v17, v21;
	v19 =	vsel vm0, v20, v22  }
0xad: {  	vm0 =	vgt.f32 v15, v11;
	vm1 =	veq.f32 v14, v17;
	vm2 =	vlt.s32 v18, v19  }
0xae: {  	v16 =	vsel vm0, v33, v16;
	vm3 =	vgt.f32 v14, v17;
	vm1 =	vmand vm1, vm2  }
0xaf: {  	v11 =	vsel vm0, v15, v11;
	v15 =	vshll.u32 v16, $0x7;
	vm0 =	vmor vm3, vm1  }
0xb0: {  	v16 =	vld [tilespmem:s6+$0x8070];
	v15 =	vor.u32 v6, v15;
	v14 =	vsel vm0, v14, v17;
	v17 =	vsel vm0, v18, v19  }
0xb1: {  	vm0 =	vgt.f32 v13, v10;
	vm1 =	veq.f32 v11, v14;
	vm2 =	vlt.s32 v15, v17  }
0xb2: {  	v12 =	vsel vm0, v33, v12;
	vm3 =	vgt.f32 v11, v14;
	vm1 =	vmand vm1, vm2  }
0xb3: {  	v10 =	vsel vm0, v13, v10;
	v12 =	vshll.u32 v12, $0x7;
	vm0 =	vmor vm3, vm1  }
0xb4: {  	v12 =	vor.u32 v7, v12;
	v11 =	vsel vm0, v11, v14;
	v13 =	vsel vm0, v15, v17  }
0xb5: {  	vm0 =	vgt.f32 v16, v9;
	vm1 =	veq.f32 v10, v11;
	vm2 =	vlt.s32 v12, v13  }
0xb6: {  	v14 =	vsel vm0, v33, v23;
	vm3 =	vgt.f32 v10, v11;
	vm1 =	vmand vm1, vm2  }
0xb7: {  	v9 =	vsel vm0, v16, v9;
	v14 =	vshll.u32 v14, $0x7;
	vm0 =	vmor vm3, vm1  }
0xb8: {  	v10 =	vsel vm0, v10, v11;
	v11 =	vsel vm0, v12, v13;
	v12 =	vor.u32 v8, v14  }
0xb9: {  	vm0 =	veq.f32 v9, v10;
	vm1 =	vlt.s32 v12, v11  }
0xba: {  	vm2 =	vgt.f32 v9, v10;
	vm0 =	vmand vm0, vm1  }
0xbb: {  	vm0 =	vmor vm2, vm0  }
0xbc: {  	v9 =	vsel vm0, v9, v10  }
0xbd: {  	(xrf0) =	vmax.scan.msk.f32 $0xffff, v9;
	_ =	sdelay $0x5  }
0xbe: {  	v10, _, _ =	vpop (xrf0)  }
0xbf: {  	v10 =	vbroadcast v10, $0xF  }
0xc0: {  	v11 =	vsel vm0, v12, v11  }
0xc1: {  	vm0 =	veq.f32 v9, v10;
	v9 =	vxor.u32 $0x80000000, v11  }
0xc2: {  	v9 =	vnsel vm0, $0xC0000000, v9  }
0xc3: {  	(xrf0) =	vmin.scan.msk.u32 $0xffff, v9;
	_ =	sdelay $0x5  }
0xc4: {  	v9, _, _ =	vpop (xrf0)  }
0xc5: {  	(v2sf) =	vpush v9, $0xF;
	_ =	sdelay $0xe  }
0xc6: {  	s11 =	spop (v2sf)  }
0xc7: {  	s7 =	sxor.u32 $0x80000000, s11  }
0xc8: {  	p1 =	sgt.s32 s11, $0xFFFFFFFF;
	s6 =	sand.u32 $0xF, s11;
	p0 =	slt.s32 s7, $0x1  }
0xc9: {  	s11 =	sshra.s32 s7, $0x1F;
	p6 =	sne.s32 s6, $0x0;
	p0 =	por p1, p0  }
0xca: {  	s22 =	sshrl.u32 s11, $0x1C;
	p0 =	por !p6, !p0  }
0xcb: {  	s11 =	simm.s32 $0x1;
	s6 =	sadd.s32 s22, s7;
	p0 =	por !p0, !p0  }
0xcc: {  	s6 =	sshra.s32 s6, $0x4;
	s11 =	simm.s32 @!p0 $0x0  }
0xcd: {  	s31 =	ssub.s32 s6, s11  }
0xce: {  	s29 =	sshll.u32 s31, $0x4  }
0xcf: {  	s11 =	ssub.s32 s7, s29  }
0xd0: {  	v9 =	vmov s11  }
0xd1: {  	vm0 =	veq.s32 v9, v0  }
0xd2: {  	v9 =	vsel vm0, $0x3F800000, v1  }
0xd3: {  	[tilespmem:$0x18080] =	vst v9  }
0xd4: {  	_ =	swait.ge [sflag:s21], $0x8000  }
0xd5: {  	[sflag:s21] =	ssyncset.done $0x0  }
0xd6: {  	s22 =	simm.s32 $0x0;
	[sflag:s21] =	ssyncadd.s32 $0xFFFF8000  }
0xd7: {  	[tilespmem:s12], [sflag:$0x1] =	stream.strided.gather [hbm4b:s16+s18], $0x8000, s19, s18, $0x38;
	[tilespmem:$0x18200] =	vst v63  }
0xd8: {  	v9 =	vld [tilespmem:s22+$0x0]  }
0xd9: {  	v10 =	vld [tilespmem:s22+$0x10]  }
0xda: {  	v11 =	vld [tilespmem:s22+$0x20]  }
0xdb: {  	v12 =	vld [tilespmem:s22+$0x30]  }
0xdc: {  	v13 =	vld [tilespmem:s22+$0x40]  }
0xdd: {  	v15 =	vld [tilespmem:s22+$0x50]  }
0xde: {  	v19 =	vld [tilespmem:s22+$0x60];
	_ =	sdelay $0x1  }
0xdf: {  	v32 =	vimm.s32 $0x0;
	v16 =	vimm.f32 $-Inf;
	v27 =	vld [tilespmem:s22+$0x70]  }
0xe0: {  	v23 =	vimm.s32 $0x0;
	s6 =	simm.s32 $0x80;
	vm0 =	vgt.f32 v9, v16;
	vm1 =	vgt.f32 v10, v16  }
0xe1: {  	v26 =	vld [tilespmem:s6+$0x0];
	vm2 =	vgt.f32 v11, v16;
	vm3 =	vgt.f32 v12, v16;
	vm4 =	vgt.f32 v13, v16  }
0xe2: {  	v28 =	vld [tilespmem:s6+$0x10];
	vm5 =	vgt.f32 v15, v16;
	vm6 =	vgt.f32 v19, v16;
	v24 =	vsel vm0, v9, v16  }
0xe3: {  	v22 =	vld [tilespmem:s6+$0x20];
	v29 =	vsel vm0, v23, v23;
	v25 =	vsel vm1, v10, v16;
	v21 =	vsel vm2, v11, v16  }
0xe4: {  	v20 =	vld [tilespmem:s6+$0x30];
	v17 =	vsel vm3, v12, v16;
	v14 =	vsel vm4, v13, v16;
	vm0 =	vgt.f32 v27, v16  }
0xe5: {  	v18 =	vld [tilespmem:s6+$0x40];
	v11 =	vsel vm5, v15, v16;
	v10 =	vsel vm6, v19, v16;
	v31 =	vsel vm1, v23, v23  }
0xe6: {  	v15 =	vld [tilespmem:s6+$0x50];
	v30 =	vsel vm2, v23, v23;
	v19 =	vsel vm4, v23, v23;
	v12 =	vsel vm6, v23, v23  }
0xe7: {  	s7 =	simm.s32 $0x400;
	v13 =	vld [tilespmem:s6+$0x60];
	v9 =	vsel vm0, v27, v16;
	v27 =	vsel vm3, v23, v23;
	v16 =	vsel vm5, v23, v23  }
.LBB2_8:
0xe8: {  	p0 =	sne.s32 s7, $0x1FE00;
	v33 =	vld [tilespmem:s6+$0x70];
	v32 =	vsel vm0, v23, v32  }
0xe9: {  	s6 =	sshra.s32 s7, $0x2;
	vm0 =	vgt.f32 v26, v24;
	vm1 =	vgt.f32 v28, v25;
	v23 =	vadd.s32 $0x1, v23  }
0xea: {  	v24 =	vsel vm0, v26, v24;
	v29 =	vsel vm0, v23, v29;
	v25 =	vsel vm1, v28, v25;
	v26 =	vld [tilespmem:s6+$0x0]  }
0xeb: {  	vm2 =	vgt.f32 v22, v21;
	vm3 =	vgt.f32 v20, v17;
	vm4 =	vgt.f32 v18, v14;
	v28 =	vld [tilespmem:s6+$0x10]  }
.Ltmp3:
0xec: {  	v21 =	vsel vm2, v22, v21;
	v17 =	vsel vm3, v20, v17;
	v14 =	vsel vm4, v18, v14;
	v22 =	vld [tilespmem:s6+$0x20];
	(pc) =	sbr.rel @p0 .LBB2_8-.Ltmp3, $4  }
0xed: {  	vm5 =	vgt.f32 v15, v11;
	vm6 =	vgt.f32 v13, v10;
	v20 =	vld [tilespmem:s6+$0x30];
	vm0 =	vgt.f32 v33, v9  }
0xee: {  	v11 =	vsel vm5, v15, v11;
	v10 =	vsel vm6, v13, v10;
	v18 =	vld [tilespmem:s6+$0x40];
	v9 =	vsel vm0, v33, v9  }
0xef: {  	v31 =	vsel vm1, v23, v31;
	v30 =	vsel vm2, v23, v30;
	v27 =	vsel vm3, v23, v27;
	v15 =	vld [tilespmem:s6+$0x50]  }
0xf0: {  	s7 =	sadd.s32 $0x200, s7;
	v19 =	vsel vm4, v23, v19;
	v16 =	vsel vm5, v23, v16;
	v12 =	vsel vm6, v23, v12;
	v13 =	vld [tilespmem:s6+$0x60]  }
0xf1: {  	vm1 =	vgt.f32 v26, v24;
	vm2 =	vgt.f32 v28, v25;
	v33 =	vadd.s32 $0x1, v23  }
0xf2: {  	v23 =	vsel vm0, v23, v32;
	v29 =	vsel vm1, v33, v29;
	v31 =	vsel vm2, v33, v31  }
0xf3: {  	v24 =	vsel vm1, v26, v24;
	v26 =	vshll.u32 v29, $0x7;
	v29 =	vshll.u32 v31, $0x7  }
0xf4: {  	v25 =	vsel vm2, v28, v25;
	v26 =	vor.u32 v0, v26;
	v28 =	vor.u32 v2, v29  }
0xf5: {  	vm0 =	vgt.f32 v22, v21;
	vm1 =	veq.f32 v25, v24;
	vm2 =	vlt.s32 v28, v26  }
0xf6: {  	vm3 =	vgt.f32 v25, v24;
	v29 =	vsel vm0, v33, v30;
	vm1 =	vmand vm1, vm2  }
0xf7: {  	v21 =	vsel vm0, v22, v21;
	v22 =	vshll.u32 v29, $0x7;
	vm0 =	vmor vm3, vm1  }
0xf8: {  	v22 =	vor.u32 v3, v22;
	v24 =	vsel vm0, v25, v24;
	v25 =	vsel vm0, v28, v26  }
0xf9: {  	vm0 =	vgt.f32 v20, v17;
	vm1 =	veq.f32 v21, v24;
	vm2 =	vlt.s32 v22, v25  }
0xfa: {  	v26 =	vsel vm0, v33, v27;
	vm3 =	vgt.f32 v21, v24;
	vm1 =	vmand vm1, vm2  }
0xfb: {  	v17 =	vsel vm0, v20, v17;
	v20 =	vshll.u32 v26, $0x7;
	vm0 =	vmor vm3, vm1  }
0xfc: {  	v20 =	vor.u32 v4, v20;
	v21 =	vsel vm0, v21, v24;
	v22 =	vsel vm0, v22, v25  }
0xfd: {  	vm0 =	vgt.f32 v18, v14;
	vm1 =	veq.f32 v17, v21;
	vm2 =	vlt.s32 v20, v22  }
0xfe: {  	v19 =	vsel vm0, v33, v19;
	vm3 =	vgt.f32 v17, v21;
	vm1 =	vmand vm1, vm2  }
0xff: {  	v14 =	vsel vm0, v18, v14;
	v18 =	vshll.u32 v19, $0x7;
	vm0 =	vmor vm3, vm1  }
0x100: {  	v18 =	vor.u32 v5, v18;
	v17 =	vsel vm0, v17, v21;
	v19 =	vsel vm0, v20, v22  }
0x101: {  	vm0 =	vgt.f32 v15, v11;
	vm1 =	veq.f32 v14, v17;
	vm2 =	vlt.s32 v18, v19  }
0x102: {  	v16 =	vsel vm0, v33, v16;
	vm3 =	vgt.f32 v14, v17;
	vm1 =	vmand vm1, vm2  }
0x103: {  	v11 =	vsel vm0, v15, v11;
	v15 =	vshll.u32 v16, $0x7;
	vm0 =	vmor vm3, vm1  }
0x104: {  	v16 =	vld [tilespmem:s6+$0x70];
	v15 =	vor.u32 v6, v15;
	v14 =	vsel vm0, v14, v17;
	v17 =	vsel vm0, v18, v19  }
0x105: {  	vm0 =	vgt.f32 v13, v10;
	vm1 =	veq.f32 v11, v14;
	vm2 =	vlt.s32 v15, v17  }
0x106: {  	v12 =	vsel vm0, v33, v12;
	vm3 =	vgt.f32 v11, v14;
	vm1 =	vmand vm1, vm2  }
0x107: {  	v10 =	vsel vm0, v13, v10;
	v12 =	vshll.u32 v12, $0x7;
	vm0 =	vmor vm3, vm1  }
0x108: {  	v12 =	vor.u32 v7, v12;
	v11 =	vsel vm0, v11, v14;
	v13 =	vsel vm0, v15, v17  }
0x109: {  	vm0 =	vgt.f32 v16, v9;
	vm1 =	veq.f32 v10, v11;
	vm2 =	vlt.s32 v12, v13  }
0x10a: {  	v14 =	vsel vm0, v33, v23;
	vm3 =	vgt.f32 v10, v11;
	vm1 =	vmand vm1, vm2  }
0x10b: {  	v9 =	vsel vm0, v16, v9;
	v14 =	vshll.u32 v14, $0x7;
	vm0 =	vmor vm3, vm1  }
0x10c: {  	v10 =	vsel vm0, v10, v11;
	v11 =	vsel vm0, v12, v13;
	v12 =	vor.u32 v8, v14  }
0x10d: {  	vm0 =	veq.f32 v9, v10;
	vm1 =	vlt.s32 v12, v11  }
0x10e: {  	vm2 =	vgt.f32 v9, v10;
	vm0 =	vmand vm0, vm1  }
0x10f: {  	vm0 =	vmor vm2, vm0  }
0x110: {  	v9 =	vsel vm0, v9, v10  }
0x111: {  	(xrf0) =	vmax.scan.msk.f32 $0xffff, v9;
	_ =	sdelay $0x5  }
0x112: {  	v10, _, _ =	vpop (xrf0)  }
0x113: {  	v10 =	vbroadcast v10, $0xF  }
0x114: {  	v11 =	vsel vm0, v12, v11  }
0x115: {  	vm0 =	veq.f32 v9, v10;
	v9 =	vxor.u32 $0x80000000, v11  }
0x116: {  	v9 =	vnsel vm0, $0xC0000000, v9  }
0x117: {  	(xrf0) =	vmin.scan.msk.u32 $0xffff, v9;
	_ =	sdelay $0x5  }
0x118: {  	v9, _, _ =	vpop (xrf0)  }
0x119: {  	(v2sf) =	vpush v9, $0xF;
	_ =	sdelay $0xe  }
0x11a: {  	s7 =	spop (v2sf)  }
0x11b: {  	s11 =	sxor.u32 $0x80000000, s7  }
0x11c: {  	p1 =	sgt.s32 s7, $0xFFFFFFFF;
	s6 =	sand.u32 $0xF, s7;
	p0 =	slt.s32 s11, $0x1  }
0x11d: {  	s7 =	sshra.s32 s11, $0x1F;
	p6 =	sne.s32 s6, $0x0;
	p0 =	por p1, p0  }
0x11e: {  	s12 =	sshrl.u32 s7, $0x1C;
	p0 =	por !p6, !p0  }
0x11f: {  	s7 =	simm.s32 $0x1;
	s6 =	sadd.s32 s12, s11;
	p0 =	por !p0, !p0  }
0x120: {  	s6 =	sshra.s32 s6, $0x4;
	s7 =	simm.s32 @!p0 $0x0  }
0x121: {  	s7 =	ssub.s32 s6, s7  }
0x122: {  	s6 =	sshll.u32 s7, $0x4  }
0x123: {  	s11 =	ssub.s32 s11, s6  }
0x124: {  	v9 =	vmov s11  }
0x125: {  	vm0 =	veq.s32 v9, v0  }
0x126: {  	v9 =	vsel vm0, $0x3F800000, v1  }
0x127: {  	[tilespmem:$0x18100] =	vst v9  }
0x128: {  	_ =	swait.ge [sflag:s21], $0x8000  }
0x129: {  	[sflag:s21] =	ssyncset.done $0x0  }
0x12a: {  	s22 =	simm.s32 $0x0;
	[sflag:s21] =	ssyncadd.s32 $0xFFFF8000  }
0x12b: {  	v9 =	vld [tilespmem:s22+$0x8000]  }
0x12c: {  	v10 =	vld [tilespmem:s22+$0x8010]  }
0x12d: {  	v11 =	vld [tilespmem:s22+$0x8020]  }
0x12e: {  	v12 =	vld [tilespmem:s22+$0x8030]  }
0x12f: {  	v13 =	vld [tilespmem:s22+$0x8040]  }
0x130: {  	v15 =	vld [tilespmem:s22+$0x8050]  }
0x131: {  	v19 =	vld [tilespmem:s22+$0x8060];
	_ =	sdelay $0x1  }
0x132: {  	v32 =	vimm.s32 $0x0;
	v16 =	vimm.f32 $-Inf;
	v27 =	vld [tilespmem:s22+$0x8070]  }
0x133: {  	v23 =	vimm.s32 $0x0;
	s22 =	simm.s32 $0x80;
	vm0 =	vgt.f32 v9, v16;
	vm1 =	vgt.f32 v10, v16  }
0x134: {  	v26 =	vld [tilespmem:s22+$0x8000];
	vm2 =	vgt.f32 v11, v16;
	vm3 =	vgt.f32 v12, v16;
	vm4 =	vgt.f32 v13, v16  }
0x135: {  	v28 =	vld [tilespmem:s22+$0x8010];
	vm5 =	vgt.f32 v15, v16;
	vm6 =	vgt.f32 v19, v16;
	v24 =	vsel vm0, v9, v16  }
0x136: {  	v22 =	vld [tilespmem:s22+$0x8020];
	v29 =	vsel vm0, v23, v23;
	v25 =	vsel vm1, v10, v16;
	v21 =	vsel vm2, v11, v16  }
0x137: {  	v20 =	vld [tilespmem:s22+$0x8030];
	v17 =	vsel vm3, v12, v16;
	v14 =	vsel vm4, v13, v16;
	vm0 =	vgt.f32 v27, v16  }
0x138: {  	v18 =	vld [tilespmem:s22+$0x8040];
	v11 =	vsel vm5, v15, v16;
	v10 =	vsel vm6, v19, v16;
	v31 =	vsel vm1, v23, v23  }
0x139: {  	v15 =	vld [tilespmem:s22+$0x8050];
	v30 =	vsel vm2, v23, v23;
	v19 =	vsel vm4, v23, v23;
	v12 =	vsel vm6, v23, v23  }
0x13a: {  	s11 =	simm.s32 $0x400;
	v13 =	vld [tilespmem:s22+$0x8060];
	v9 =	vsel vm0, v27, v16;
	v27 =	vsel vm3, v23, v23;
	v16 =	vsel vm5, v23, v23  }
.LBB2_10:
0x13b: {  	p0 =	sne.s32 s11, $0x1FE00;
	v33 =	vld [tilespmem:s22+$0x8070];
	v32 =	vsel vm0, v23, v32  }
0x13c: {  	s22 =	sshra.s32 s11, $0x2;
	vm0 =	vgt.f32 v26, v24;
	vm1 =	vgt.f32 v28, v25;
	v23 =	vadd.s32 $0x1, v23  }
0x13d: {  	v24 =	vsel vm0, v26, v24;
	v29 =	vsel vm0, v23, v29;
	v25 =	vsel vm1, v28, v25;
	v26 =	vld [tilespmem:s22+$0x8000]  }
0x13e: {  	vm2 =	vgt.f32 v22, v21;
	vm3 =	vgt.f32 v20, v17;
	vm4 =	vgt.f32 v18, v14;
	v28 =	vld [tilespmem:s22+$0x8010]  }
.Ltmp4:
0x13f: {  	v21 =	vsel vm2, v22, v21;
	v17 =	vsel vm3, v20, v17;
	v14 =	vsel vm4, v18, v14;
	v22 =	vld [tilespmem:s22+$0x8020];
	(pc) =	sbr.rel @p0 .LBB2_10-.Ltmp4, $4  }
0x140: {  	vm5 =	vgt.f32 v15, v11;
	vm6 =	vgt.f32 v13, v10;
	v20 =	vld [tilespmem:s22+$0x8030];
	vm0 =	vgt.f32 v33, v9  }
0x141: {  	v11 =	vsel vm5, v15, v11;
	v10 =	vsel vm6, v13, v10;
	v18 =	vld [tilespmem:s22+$0x8040];
	v9 =	vsel vm0, v33, v9  }
0x142: {  	v31 =	vsel vm1, v23, v31;
	v30 =	vsel vm2, v23, v30;
	v27 =	vsel vm3, v23, v27;
	v15 =	vld [tilespmem:s22+$0x8050]  }
0x143: {  	s11 =	sadd.s32 $0x200, s11;
	v19 =	vsel vm4, v23, v19;
	v16 =	vsel vm5, v23, v16;
	v12 =	vsel vm6, v23, v12;
	v13 =	vld [tilespmem:s22+$0x8060]  }
0x144: {  	vm1 =	vgt.f32 v26, v24;
	vm2 =	vgt.f32 v28, v25;
	v33 =	vadd.s32 $0x1, v23  }
0x145: {  	v47 =	vsel vm0, v23, v32;
	v29 =	vsel vm1, v33, v29;
	v31 =	vsel vm2, v33, v31  }
0x146: {  	v24 =	vsel vm1, v26, v24;
	v48 =	vshll.u32 v29, $0x7;
	v49 =	vshll.u32 v31, $0x7  }
0x147: {  	v25 =	vsel vm2, v28, v25;
	v26 =	vor.u32 v0, v48;
	v50 =	vor.u32 v2, v49  }
0x148: {  	vm14 =	vgt.f32 v22, v21;
	vm1 =	veq.f32 v25, v24;
	vm15 =	vlt.s32 v50, v26  }
0x149: {  	v51 =	vsel vm14, v33, v30;
	vm3 =	vgt.f32 v25, v24;
	vm1 =	vmand vm1, vm15  }
0x14a: {  	v21 =	vsel vm14, v22, v21;
	v52 =	vshll.u32 v51, $0x7;
	vm6 =	vmor vm3, vm1  }
0x14b: {  	v22 =	vor.u32 v3, v52;
	v24 =	vsel vm6, v25, v24;
	v53 =	vsel vm6, v50, v26  }
0x14c: {  	vm7 =	vgt.f32 v20, v17;
	vm8 =	veq.f32 v21, v24;
	vm9 =	vlt.s32 v22, v53  }
0x14d: {  	v54 =	vsel vm7, v33, v27;
	vm10 =	vgt.f32 v21, v24;
	vm1 =	vmand vm8, vm9  }
0x14e: {  	v17 =	vsel vm7, v20, v17;
	v55 =	vshll.u32 v54, $0x7;
	vm11 =	vmor vm10, vm1  }
0x14f: {  	v20 =	vor.u32 v4, v55;
	v21 =	vsel vm11, v21, v24;
	v22 =	vsel vm11, v22, v53  }
0x150: {  	vm12 =	vgt.f32 v18, v14;
	vm13 =	veq.f32 v17, v21;
	vm14 =	vlt.s32 v20, v22  }
0x151: {  	v19 =	vsel vm12, v33, v19;
	vm15 =	vgt.f32 v17, v21;
	vm1 =	vmand vm13, vm14  }
0x152: {  	v14 =	vsel vm12, v18, v14;
	v56 =	vshll.u32 v19, $0x7;
	vm6 =	vmor vm15, vm1  }
0x153: {  	v18 =	vor.u32 v5, v56;
	v17 =	vsel vm6, v17, v21;
	v57 =	vsel vm6, v20, v22  }
0x154: {  	vm7 =	vgt.f32 v15, v11;
	vm8 =	veq.f32 v14, v17;
	vm9 =	vlt.s32 v18, v57  }
0x155: {  	v16 =	vsel vm7, v33, v16;
	vm10 =	vgt.f32 v14, v17;
	vm1 =	vmand vm8, vm9  }
0x156: {  	v11 =	vsel vm7, v15, v11;
	v58 =	vshll.u32 v16, $0x7;
	vm11 =	vmor vm10, vm1  }
0x157: {  	v59 =	vld [tilespmem:s22+$0x8070];
	v15 =	vor.u32 v6, v58;
	v14 =	vsel vm11, v14, v17;
	v60 =	vsel vm11, v18, v57  }
0x158: {  	vm12 =	vgt.f32 v13, v10;
	vm13 =	veq.f32 v11, v14;
	vm14 =	vlt.s32 v15, v60  }
0x159: {  	v12 =	vsel vm12, v33, v12;
	vm15 =	vgt.f32 v11, v14;
	vm1 =	vmand vm13, vm14  }
0x15a: {  	v10 =	vsel vm12, v13, v10;
	v12 =	vshll.u32 v12, $0x7;
	vm5 =	vmor vm15, vm1  }
0x15b: {  	v12 =	vor.u32 v7, v12;
	v11 =	vsel vm5, v11, v14;
	v61 =	vsel vm5, v15, v60  }
0x15c: {  	vm6 =	vgt.f32 v59, v9;
	vm7 =	veq.f32 v10, v11;
	vm8 =	vlt.s32 v12, v61  }
0x15d: {  	v62 =	vsel vm6, v33, v47;
	vm9 =	vgt.f32 v10, v11;
	vm1 =	vmand vm7, vm8  }
0x15e: {  	v9 =	vsel vm6, v59, v9;
	v14 =	vshll.u32 v62, $0x7;
	vm10 =	vmor vm9, vm1  }
0x15f: {  	v63 =	vor.u32 v8, v14;
	v10 =	vsel vm10, v10, v11;
	v11 =	vsel vm10, v12, v61  }
0x160: {  	vm11 =	veq.f32 v9, v10;
	vm12 =	vlt.s32 v63, v11  }
0x161: {  	vm13 =	vgt.f32 v9, v10;
	vm0 =	vmand vm11, vm12  }
0x162: {  	vm0 =	vmor vm13, vm0  }
0x163: {  	v9 =	vsel vm0, v9, v10  }
0x164: {  	(xrf0) =	vmax.scan.msk.f32 $0xffff, v9;
	_ =	sdelay $0x5  }
0x165: {  	v10, _, _ =	vpop (xrf0)  }
0x166: {  	v10 =	vbroadcast v10, $0xF  }
0x167: {  	v11 =	vsel vm0, v63, v11  }
0x168: {  	vm14 =	veq.f32 v9, v10;
	v9 =	vxor.u32 $0x80000000, v11  }
0x169: {  	v9 =	vnsel vm14, $0xC0000000, v9  }
0x16a: {  	(xrf0) =	vmin.scan.msk.u32 $0xffff, v9;
	_ =	sdelay $0x5  }
0x16b: {  	v9, _, _ =	vpop (xrf0)  }
0x16c: {  	(v2sf) =	vpush v9, $0xF;
	_ =	sdelay $0xe  }
0x16d: {  	s11 =	spop (v2sf)  }
0x16e: {  	s22 =	sxor.u32 $0x80000000, s11  }
0x16f: {  	p1 =	sgt.s32 s11, $0xFFFFFFFF;
	s11 =	sand.u32 $0xF, s11;
	p0 =	slt.s32 s22, $0x1  }
0x170: {  	s12 =	sshra.s32 s22, $0x1F;
	p6 =	sne.s32 s11, $0x0;
	p0 =	por p1, p0  }
0x171: {  	s12 =	sshrl.u32 s12, $0x1C;
	p0 =	por !p6, !p0  }
0x172: {  	s11 =	sadd.s32 s12, s22;
	s12 =	simm.s32 $0x1;
	p0 =	por !p0, !p0  }
0x173: {  	s11 =	sshra.s32 s11, $0x4;
	s12 =	simm.s32 @!p0 $0x0  }
0x174: {  	s11 =	ssub.s32 s11, s12  }
0x175: {  	s12 =	sshll.u32 s11, $0x4  }
0x176: {  	s22 =	ssub.s32 s22, s12  }
0x177: {  	s26 =	sshll.u32 s26, $0x7;
	v9 =	vmov s22  }
0x178: {  	s22 =	sand.u32 $0xFFFFFC00, s26;
	vm15 =	veq.s32 v9, v0  }
0x179: {  	s24 =	sand.u32 $0x70, s24;
	s22 =	sadd.s32 s4, s22;
	v9 =	vsel vm15, $0x3F800000, v1  }
0x17a: {  	s22 =	sor.u32 s24, s22;
	[tilespmem:$0x18180] =	vst v9  }
0x17b: {  	s22 =	sor.u32 s5, s22;
	_ =	swait.ge [sflag:s23], $0x8000  }
0x17c: {  	s22 =	sshrl.u32 s22, $0x3;
	[sflag:s23] =	ssyncset.done $0x0  }
0x17d: {  	s26 =	simm.s32 $0x18000;
	s22 =	sadd.s32 s2, s22;
	[sflag:s23] =	ssyncadd.s32 $0xFFFF8000  }
0x17e: {  	[hbm4b:s22+s3] =	stream.linear.scatter [tilespmem:s26], [sflag:$0x6], $0x10, $0x38;
	[tilespmem:$0x18200] =	vst v63  }
0x17f: {  	s26 =	sshll.u32 s31, $0x7  }
0x180: {  	s7 =	sshll.u32 s7, $0x7;
	s22 =	sand.u32 $0xFFFFFC00, s26  }
0x181: {  	s29 =	sand.u32 $0x70, s29;
	s7 =	sand.u32 $0xFFFFFC00, s7;
	s22 =	sadd.s32 s4, s22  }
0x182: {  	s6 =	sand.u32 $0x70, s6;
	s7 =	sadd.s32 s4, s7;
	s22 =	sor.u32 s29, s22  }
0x183: {  	s6 =	sor.u32 s6, s7;
	_ =	swait.ge [sflag:s25], $0x8000;
	s22 =	sor.u32 s8, s22  }
0x184: {  	s6 =	sor.u32 s9, s6;
	[sflag:s25] =	ssyncset.done $0x0;
	s22 =	sshrl.u32 s22, $0x3  }
0x185: {  	s31 =	simm.s32 $0x18080;
	[sflag:s25] =	ssyncadd.s32 $0xFFFF8000;
	s22 =	sadd.s32 s2, s22  }
0x186: {  	[hbm4b:s22+s3] =	stream.linear.scatter [tilespmem:s31], [sflag:$0x6], $0x10, $0x38;
	[tilespmem:$0x18200] =	vst v63  }
0x187: {  	s6 =	sshrl.u32 s6, $0x3;
	_ =	swait.ge [sflag:s28], $0x8000  }
0x188: {  	s6 =	sadd.s32 s2, s6;
	[sflag:s28] =	ssyncset.done $0x0  }
0x189: {  	s24 =	simm.s32 $0x18100;
	s26 =	sshll.u32 s11, $0x7;
	[sflag:s28] =	ssyncadd.s32 $0xFFFF8000  }
0x18a: {  	[hbm4b:s6+s3] =	stream.linear.scatter [tilespmem:s24], [sflag:$0x6], $0x10, $0x38;
	[tilespmem:$0x18200] =	vst v63  }
0x18b: {  	s6 =	sand.u32 $0xFFFFFC00, s26  }
0x18c: {  	s29 =	sand.u32 $0x70, s12;
	s6 =	sadd.s32 s4, s6  }
0x18d: {  	s6 =	sor.u32 s29, s6  }
0x18e: {  	_ =	swait.ge [sflag:s30], $0x8000;
	s6 =	sor.u32 s10, s6  }
0x18f: {  	[sflag:s30] =	ssyncset.done $0x0;
	s6 =	sshrl.u32 s6, $0x3  }
0x190: {  	s31 =	simm.s32 $0x18180;
	[sflag:s30] =	ssyncadd.s32 $0xFFFF8000;
	s6 =	sadd.s32 s2, s6  }
0x191: {  	[hbm4b:s6+s3] =	stream.linear.scatter [tilespmem:s31], [sflag:$0x6], $0x10, $0x38;
	[tilespmem:$0x18200] =	vst v63  }
0x192: {  	_ =	swait.ge [sflag:s0], $0x10  }
0x193: {  	[sflag:s0] =	ssyncset.done $0x0  }
0x194: {  	[sflag:s0] =	ssyncadd.s32 $0xFFFFFFF0  }
0x195: {  	_ =	swait.ge [sflag:s0], $0x10  }
0x196: {  	[sflag:s0] =	ssyncset.done $0x0  }
0x197: {  	s1 =	sadd.s32 $0x1, s1;
	[sflag:s0] =	ssyncadd.s32 $0xFFFFFFF0  }
0x198: {  	p0 =	sne.s32 s1, s17;
	_ =	swait.ge [sflag:s0], $0x10  }
.Ltmp5:
0x199: {  	[sflag:s0] =	ssyncset.done $0x0;
	(pc) =	sbr.rel @p0 .LBB2_1-.Ltmp5, $4  }
0x19a: {  	[sflag:s0] =	ssyncadd.s32 $0xFFFFFFF0  }
0x19b: {  	_ =	swait.ge [sflag:s0], $0x10  }
0x19c: {  	[sflag:s0] =	ssyncset.done $0x0  }
0x19d: {  	s12 =	simm.s32 $0x8000;
	[sflag:s0] =	ssyncadd.s32 $0xFFFFFFF0  }
0x19e: {  	_ =	sfence.sel $0x180000  }
0x19f: {  	[bflag:$0x0] =	sbarrier.arrive $0xFFFF  }
0x1a0: {  	_ =	strace $0x90000047  }
0x1a1: {  	s0 =	stileid.u32;
	[bflag:$0x2] =	sbarrier.arrive $0xFFFF  }
0x1a2: {  	p0 =	sne.s32 s0, $0x0;
	s0 =	rddreg [dreg:$0x2]  }
0x1a3: {  	s0 =	sadd.s32 @!p0 $0x100000, s0  }
0x1a4: {  	[sflag:s0] =	ssyncadd.tile.s32 @!p0 $0x1;
	_ =	shalt  }
.Lfunc_end2:
_tile_overlayer_lowered:
.L_overlay_start_2:
0x1a5: {  	(tag) =	ssettag $0x2  }
0x1a6: {  	s0 =	rddreg [dreg:$0x0];
	s2 =	stileid.u32  }
0x1a7: {  	s1 =	rddreg [dreg:$0x1];
	p0 =	sne.s32 s2, $0x0  }
0x1a8: {  	s3 =	rddreg [dreg:$0x2];
	[bflag:$0x3] =	sbarrier.arrive $0xFFFF;
	s2 =	simm.s32 @!p0 $0x1C07  }
0x1a9: {  	[timem:s3], [sflag:s2] =	dma.local @!p0 [hbm:s0], s1  }
0x1aa: {  	s0 =	simm.s32 @!p0 $0x7  }
0x1ab: {  	_ =	swait.ge @!p0 [sflag:s0], s1  }
0x1ac: {  	s1 =	ssub.s32 @!p0 $0x0, s1;
	[sflag:s0] =	ssyncset.done @!p0 $0x0  }
0x1ad: {  	[sflag:s0] =	ssyncadd.s32 @!p0 s1  }
0x1ae: {  	[bflag:$0x3] =	sbarrier.arrive $0xFFFF  }
0x1af: {  	_ =	shalt  }

</sc_bundles>
